<compile_context>
chip_gen: v7x
topology: tpu7x:2x2x1
jax: 0.10.2.dev20260603
libtpu: 0.0.44.dev20260713+nightly
codegen_flags: <defaults>
</compile_context>

<pallas_src>
import functools

import jax
import jax.numpy as jnp
from jax import lax
from jax.experimental import pallas as pl
from jax.experimental.pallas import tpu as pltpu
from jax.experimental.pallas import tpu_sc as plsc

NC = 2
NS = 16
NW = NC * NS
CHUNK = 128

N_NODES = 10000
N_EDGES = 320000
D = 128

TOTCH = N_EDGES // CHUNK
NPAD = 10240
RPT = NPAD // NS
ACC_CH = NPAD // CHUNK
ACC_CPT = ACC_CH // NS

T0_CHUNKS = 1280
CPT0 = T0_CHUNKS // NS
CPT1 = 80

IBLK = 8
TAIL_START = TOTCH - TOTCH % IBLK
TAIL_REM = TOTCH - TAIL_START

DSLAB = 80

_sc_mesh = plsc.VectorSubcoreMesh(core_axis_name="c", subcore_axis_name="s")


def _deg_body(didx_hbm, tail_hbm, out_hbm, didx_v, ones_v, zbuf_v, deg_sh,
              sem):
    cid = lax.axis_index("c")
    sid = lax.axis_index("s")
    wid = sid * NC + cid
    base = wid * DSLAB
    nch = jnp.minimum(DSLAB, TOTCH - base)

    def fill16(i, _):
        ones_v[pl.ds(i * 16, 16)] = jnp.full((16,), 1.0, jnp.float32)
        return ()

    lax.fori_loop(0, CHUNK // 16, fill16, ())

    def zfill(i, _):
        zbuf_v[pl.ds(i * 16, 16)] = jnp.zeros((16,), jnp.float32)
        return ()

    lax.fori_loop(0, RPT // 16, zfill, ())

    pltpu.sync_copy(zbuf_v, deg_sh.at[pl.ds(sid * RPT, RPT)])

    @pl.when(wid < NW - 1)
    def _():
        pltpu.sync_copy(didx_hbm.at[pl.ds(base, DSLAB)], didx_v)

    @pl.when(wid == NW - 1)
    def _():
        head = TAIL_START - (NW - 1) * DSLAB
        pltpu.sync_copy(
            didx_hbm.at[pl.ds(base, head)], didx_v.at[pl.ds(0, head)])
        pltpu.sync_copy(
            tail_hbm.at[1], didx_v.at[pl.ds(head, IBLK)])
    plsc.subcore_barrier()

    def fire(j, _):
        pltpu.async_copy(ones_v, deg_sh.at[didx_v.at[j]], sem, add=True)
        return ()

    lax.fori_loop(0, nch, fire, ())

    def drain(j, _):
        pltpu.make_async_copy(ones_v, deg_sh.at[didx_v.at[0]], sem).wait()
        return ()

    lax.fori_loop(0, nch, drain, ())
    plsc.subcore_barrier()

    pltpu.sync_copy(deg_sh.at[pl.ds(sid * RPT, RPT)], zbuf_v)
    pltpu.sync_copy(zbuf_v, out_hbm.at[cid, pl.ds(sid * RPT, RPT)])


_deg_kernel = functools.partial(
    pl.kernel,
    out_type=jax.ShapeDtypeStruct((NC, NPAD), jnp.float32),
    mesh=_sc_mesh,
    scratch_types=[
        pltpu.VMEM((DSLAB, CHUNK), jnp.int32),
        pltpu.VMEM((CHUNK,), jnp.float32),
        pltpu.VMEM((RPT,), jnp.float32),
        pltpu.VMEM_SHARED((NPAD,), jnp.float32),
        pltpu.SemaphoreType.DMA,
    ],
)(_deg_body)


def _scatter_body(g_hbm, sidx_hbm, didx_hbm, tail_hbm, out_hbm,
                  sidx_v, didx_v, bufs, acc_sh, semg, sems, semi):
    cid = lax.axis_index("c")
    sid = lax.axis_index("s")
    base = jnp.where(cid == 0, sid * CPT0, T0_CHUNKS + sid * CPT1)
    nch = jnp.where(
        cid == 0,
        CPT0,
        jnp.clip(TOTCH - base, 0, CPT1),
    )

    def zfill(i, _):
        r = i // (D // 16)
        c = i % (D // 16)
        bufs[0, r, pl.ds(c * 16, 16)] = jnp.zeros((16,), jnp.float32)
        return ()

    lax.fori_loop(0, CHUNK * (D // 16), zfill, ())

    for m in range(ACC_CPT):
        ch = sid + NS * m
        pltpu.async_copy(
            bufs.at[0], acc_sh.at[pl.ds(ch * CHUNK, CHUNK)], semi)

    pltpu.sync_copy(sidx_hbm.at[pl.ds(base, IBLK)], sidx_v.at[0])
    pltpu.sync_copy(didx_hbm.at[pl.ds(base, IBLK)], didx_v.at[0])
    for m in range(ACC_CPT):
        pltpu.make_async_copy(
            bufs.at[0], acc_sh.at[pl.ds(0, CHUNK)], semi).wait()
    plsc.subcore_barrier()

    @pl.when(nch > 0)
    def _():
        pltpu.async_copy(g_hbm.at[sidx_v.at[0, 0]], bufs.at[0], semg.at[0])

    def step(j, _):
        par = j % 2
        npar = (j + 1) % 2
        blk = j // IBLK
        pos = j % IBLK

        @pl.when(j >= 1)
        def _():
            pltpu.make_async_copy(
                bufs.at[0], acc_sh.at[pl.ds(0, CHUNK)], sems.at[npar]
            ).wait()

        nxt = base + (blk + 1) * IBLK

        @pl.when((pos == 1) & ((blk + 1) * IBLK < nch) & (nxt < TAIL_START))
        def _():
            pltpu.async_copy(
                sidx_hbm.at[pl.ds(nxt, IBLK)], sidx_v.at[(blk + 1) % 2],
                semi)
            pltpu.async_copy(
                didx_hbm.at[pl.ds(nxt, IBLK)], didx_v.at[(blk + 1) % 2],
                semi)

        @pl.when((pos == 1) & ((blk + 1) * IBLK < nch) & (nxt >= TAIL_START))
        def _():
            pltpu.async_copy(tail_hbm.at[0], sidx_v.at[(blk + 1) % 2], semi)
            pltpu.async_copy(tail_hbm.at[1], didx_v.at[(blk + 1) % 2], semi)

        @pl.when(j + 1 < nch)
        def _():
            @pl.when(pos == IBLK - 1)
            def _():
                pltpu.make_async_copy(
                    sidx_hbm.at[pl.ds(base, IBLK)], sidx_v.at[0], semi
                ).wait()
                pltpu.make_async_copy(
                    sidx_hbm.at[pl.ds(base, IBLK)], sidx_v.at[0], semi
                ).wait()

            pltpu.async_copy(
                g_hbm.at[sidx_v.at[((j + 1) // IBLK) % 2, (j + 1) % IBLK]],
                bufs.at[npar], semg.at[npar])

        pltpu.make_async_copy(
            g_hbm.at[sidx_v.at[0, 0]], bufs.at[par], semg.at[par]
        ).wait()
        pltpu.async_copy(
            bufs.at[par], acc_sh.at[didx_v.at[blk % 2, pos]],
            sems.at[par], add=True)
        return ()

    lax.fori_loop(0, nch, step, ())

    @pl.when(nch > 0)
    def _():
        pltpu.make_async_copy(
            bufs.at[0], acc_sh.at[pl.ds(0, CHUNK)], sems.at[(nch - 1) % 2]
        ).wait()

    plsc.subcore_barrier()

    for m in range(ACC_CPT):
        ch = sid + NS * m
        pltpu.async_copy(
            acc_sh.at[pl.ds(ch * CHUNK, CHUNK)],
            out_hbm.at[cid, pl.ds(ch * CHUNK, CHUNK)], semi)
    for m in range(ACC_CPT):
        pltpu.make_async_copy(
            acc_sh.at[pl.ds(0, CHUNK)],
            out_hbm.at[cid, pl.ds(0, CHUNK)], semi).wait()


_scatter_kernel = functools.partial(
    pl.kernel,
    out_type=jax.ShapeDtypeStruct((NC, NPAD, D), jnp.float32),
    mesh=_sc_mesh,
    scratch_types=[
        pltpu.VMEM((2, IBLK, CHUNK), jnp.int32),
        pltpu.VMEM((2, IBLK, CHUNK), jnp.int32),
        pltpu.VMEM((2, CHUNK, D), jnp.float32),
        pltpu.VMEM_SHARED((NPAD, D), jnp.float32),
        pltpu.SemaphoreType.DMA((2,)),
        pltpu.SemaphoreType.DMA((2,)),
        pltpu.SemaphoreType.DMA,
    ],
)(_scatter_body)


BLK = 1024


def _lin_body(x_ref, w_ref, degp_ref, g_ref):
    deg = degp_ref[0, :] + degp_ref[1, :] + 1.0
    dis = lax.rsqrt(deg)
    h = lax.dot_general(
        x_ref[...], w_ref[...],
        (((1,), (1,)), ((), ())),
        preferred_element_type=jnp.float32,
    )
    g_ref[...] = h * dis[:, None]


def _final_body(accp_ref, g_ref, degp_ref, b_ref, out_ref):
    deg = degp_ref[0, :] + degp_ref[1, :] + 1.0
    dis = lax.rsqrt(deg)
    s = (accp_ref[0] + accp_ref[1] + g_ref[...]) * dis[:, None]
    s = s + b_ref[...]
    out_ref[...] = 0.5 * s * (1.0 + lax.erf(s * 0.7071067811865476))


def kernel(x, edge_index, W, b):
    sidx = edge_index[0].astype(jnp.int32).reshape(TOTCH, CHUNK)
    didx = edge_index[1].astype(jnp.int32).reshape(TOTCH, CHUNK)
    tail = jnp.zeros((2, IBLK, CHUNK), jnp.int32)
    tail = tail.at[:, :TAIL_REM].set(
        jnp.stack([sidx[TAIL_START:], didx[TAIL_START:]]))

    degp = _deg_kernel(didx, tail)

    xp = jnp.pad(x, ((0, NPAD - N_NODES), (0, 0)))

    g = pl.pallas_call(
        _lin_body,
        grid=(NPAD // BLK,),
        in_specs=[
            pl.BlockSpec((BLK, D), lambda i: (i, 0)),
            pl.BlockSpec((D, D), lambda i: (0, 0)),
            pl.BlockSpec((NC, BLK), lambda i: (0, i)),
        ],
        out_specs=pl.BlockSpec((BLK, D), lambda i: (i, 0)),
        out_shape=jax.ShapeDtypeStruct((NPAD, D), jnp.float32),
    )(xp, W, degp)

    accp = _scatter_kernel(g, sidx, didx, tail)

    out = pl.pallas_call(
        _final_body,
        grid=(NPAD // BLK,),
        in_specs=[
            pl.BlockSpec((NC, BLK, D), lambda i: (0, i, 0)),
            pl.BlockSpec((BLK, D), lambda i: (i, 0)),
            pl.BlockSpec((NC, BLK), lambda i: (0, i)),
            pl.BlockSpec((1, D), lambda i: (0, 0)),
        ],
        out_specs=pl.BlockSpec((BLK, D), lambda i: (i, 0)),
        out_shape=jax.ShapeDtypeStruct((N_NODES, D), jnp.float32),
    )(accp, g, degp, b.reshape(1, D))

    return out

# --- scband reference (transcript-rebuilt; emitter-appended) ---
"""Pipeline reference for scband-gcnlayer-45973329936465 (READ-ONLY COPY).

The authoritative reference and input builder live on the scoring server;
editing this copy changes nothing except your own understanding.
"""

import jax, jax.numpy as jnp
import numpy as np

N_NODES = 10000
N_EDGES = 320000
D_IN = 128
D_OUT = 128


def setup_inputs(seed: int = 0) -> dict:
    key = jax.random.key(seed)
    k1, k2, k3, k4 = jax.random.split(key, 4)
    x = jax.random.normal(k1, (N_NODES, D_IN), dtype=jnp.float32)
    edge_index = jax.random.randint(k2, (2, N_EDGES), 0, N_NODES, dtype=jnp.int64)
    # GCNConv linear params (torch nn.Linear convention: W is [out, in])
    bound = 1.0 / np.sqrt(D_IN)
    W = jax.random.uniform(k3, (D_OUT, D_IN), minval=-bound, maxval=bound, dtype=jnp.float32)
    b = jax.random.uniform(k4, (D_OUT,), minval=-bound, maxval=bound, dtype=jnp.float32)
    return {"x": x, "edge_index": edge_index, "W": W, "b": b}


def reference(x, edge_index, W, b):
    # Faithful PyG GCNConv (add_self_loops=True, normalize=True) + GELU.
    # Dropout is identity in eval mode.
    N = x.shape[0]
    src = edge_index[0]
    dst = edge_index[1]
    loop = jnp.arange(N, dtype=edge_index.dtype)
    src = jnp.concatenate([src, loop], axis=0)
    dst = jnp.concatenate([dst, loop], axis=0)
    # linear transform first (PyG applies lin before propagate)
    h = x @ W.T
    # symmetric normalization: deg computed on target (col/dst) index
    ones = jnp.ones(src.shape[0], dtype=h.dtype)
    deg = jnp.zeros((N,), dtype=h.dtype).at[dst].add(ones)
    deg_inv_sqrt = jnp.where(deg > 0, jax.lax.rsqrt(jnp.maximum(deg, 1e-12)), 0.0)
    norm = deg_inv_sqrt[src] * deg_inv_sqrt[dst]
    # gather messages from source nodes, scale, scatter-add to dst
    msg = h[src] * norm[:, None]
    out = jnp.zeros_like(h).at[dst].add(msg)
    out = out + b
    # torch nn.GELU() default is exact (erf) gelu
    out = jax.nn.gelu(out, approximate=False)
    return out

if __name__ == "__main__":
    import jax
    _d = setup_inputs()
    print(jax.jit(kernel)(*tuple(_d.values())))

</pallas_src>

<mosaic_0001>
#map = affine_map<(d0, d1) -> (0, 0)>
#map1 = affine_map<(d0, d1) -> (0, 0, 0)>
module attributes {stable_mosaic.version = 14 : i64} {
  func.func @_deg_body(%arg0: i32, %arg1: i32, %arg2: memref<2500x128xi32, #tpu.memory_space<hbm>>, %arg3: memref<2x8x128xi32, #tpu.memory_space<hbm>>, %arg4: memref<2x10240xf32, #tpu.memory_space<hbm>>, %arg5: memref<80x128xi32, #tpu.memory_space<vmem>>, %arg6: memref<128xf32, #tpu.memory_space<vmem>>, %arg7: memref<640xf32, #tpu.memory_space<vmem>>, %arg8: memref<10240xf32, #tpu.memory_space<vmem_shared>>, %arg9: memref<!tpu.dma_semaphore, #tpu.memory_space<semaphore_mem>>) attributes {dimension_semantics = [#tpu.dimension_semantics<core_parallel>, #tpu.dimension_semantics<subcore_parallel>], iteration_bounds = array<i64: 2, 16>, scalar_prefetch = 0 : i64, scratch_operands = 5 : i64, tpu.core_type = #tpu.core_type<sc_vector_subcore>, window_params = [{transform_indices = #map}, {transform_indices = #map1}, {transform_indices = #map}]} {
    %mul3A = arith.constant 2 : i32
    %mul3A_0 = arith.muli %arg1, %mul3A : i32
    %add3A = arith.addi %mul3A_0, %arg0 : i32
    %mul3A_1 = arith.constant 80 : i32
    %mul3A_2 = arith.muli %add3A, %mul3A_1 : i32
    %sub3A = arith.constant 2500 : i32
    %sub3A_3 = arith.subi %sub3A, %mul3A_2 : i32
    %min3A = arith.constant 80 : i32
    %min3A_4 = arith.minsi %min3A, %sub3A_3 : i32
    %scan3A = arith.constant 0 : i32
    %scan3A_5 = arith.constant 8 : i32
    %scan3A_6 = arith.addi %scan3A, %scan3A_5 : i32
    %scan3A_7 = arith.constant 1 : i32
    scf.for %scan3A_44 = %scan3A to %scan3A_6 step %scan3A_7  : i32 {
      %broadcast_in_dim3A = arith.constant 1.000000e+00 : f32
      %broadcast_in_dim3A_45 = vector.broadcast %broadcast_in_dim3A : f32 to vector<16xf32>
      %mul3A_46 = arith.constant 16 : i32
      %mul3A_47 = arith.muli %scan3A_44, %mul3A_46 : i32
      %swap3A = arith.index_cast %mul3A_47 : i32 to index
      %swap3A_48 = tpu.vector_load %arg6[%swap3A] {strides = array<i32>} : memref<128xf32, #tpu.memory_space<vmem>>, vector<16xf32>,
      %swap3A_49 = vector.shape_cast %swap3A_48 : vector<16xf32> to vector<16xf32>
      %swap3A_50 = vector.shape_cast %broadcast_in_dim3A_45 : vector<16xf32> to vector<16xf32>
      tpu.vector_store %arg6[%swap3A], %swap3A_50 {strides = array<i32>} : memref<128xf32, #tpu.memory_space<vmem>>, vector<16xf32>,
    }
    %scan3A_8 = arith.constant 8 : i32
    %scan3A_9 = arith.constant 0 : i32
    %scan3A_10 = arith.constant 40 : i32
    %scan3A_11 = arith.addi %scan3A_9, %scan3A_10 : i32
    %scan3A_12 = arith.constant 1 : i32
    scf.for %scan3A_44 = %scan3A_9 to %scan3A_11 step %scan3A_12  : i32 {
      %broadcast_in_dim3A = arith.constant 0.000000e+00 : f32
      %broadcast_in_dim3A_45 = vector.broadcast %broadcast_in_dim3A : f32 to vector<16xf32>
      %mul3A_46 = arith.constant 16 : i32
      %mul3A_47 = arith.muli %scan3A_44, %mul3A_46 : i32
      %swap3A = arith.index_cast %mul3A_47 : i32 to index
      %swap3A_48 = tpu.vector_load %arg7[%swap3A] {strides = array<i32>} : memref<640xf32, #tpu.memory_space<vmem>>, vector<16xf32>,
      %swap3A_49 = vector.shape_cast %swap3A_48 : vector<16xf32> to vector<16xf32>
      %swap3A_50 = vector.shape_cast %broadcast_in_dim3A_45 : vector<16xf32> to vector<16xf32>
      tpu.vector_store %arg7[%swap3A], %swap3A_50 {strides = array<i32>} : memref<640xf32, #tpu.memory_space<vmem>>, vector<16xf32>,
    }
    %scan3A_13 = arith.constant 40 : i32
    %mul3A_14 = arith.constant 640 : i32
    %mul3A_15 = arith.muli %arg1, %mul3A_14 : i32
    "tpu.region"() ({
      %run_scoped3A = tpu.sem_alloc : memref<!tpu.dma_semaphore, #tpu.memory_space<semaphore_mem>>
      %dma_start3A = tpu.memref_slice %arg8[%mul3A_15] : memref<10240xf32, #tpu.memory_space<vmem_shared>> -> memref<640xf32, #tpu.memory_space<vmem_shared>>
      %dma_start3A_44 = tpu.memref_slice %arg8[%mul3A_15] : memref<10240xf32, #tpu.memory_space<vmem_shared>> -> memref<640xf32, #tpu.memory_space<vmem_shared>>
      tpu.enqueue_dma source(%arg7 : memref<640xf32, #tpu.memory_space<vmem>>) target(%dma_start3A_44 : memref<640xf32, #tpu.memory_space<vmem_shared>>) target_semaphore(%run_scoped3A : memref<!tpu.dma_semaphore, #tpu.memory_space<semaphore_mem>>)
      %dma_wait3A = tpu.memref_slice %arg8[%mul3A_15] : memref<10240xf32, #tpu.memory_space<vmem_shared>> -> memref<640xf32, #tpu.memory_space<vmem_shared>>
      %dma_wait3A_45 = tpu.memref_slice %arg8[%mul3A_15] : memref<10240xf32, #tpu.memory_space<vmem_shared>> -> memref<640xf32, #tpu.memory_space<vmem_shared>>
      tpu.wait_dma2 semaphore(%run_scoped3A : memref<!tpu.dma_semaphore, #tpu.memory_space<semaphore_mem>>) src(%arg7 : memref<640xf32, #tpu.memory_space<vmem>>) dst(%dma_wait3A_45 : memref<640xf32, #tpu.memory_space<vmem_shared>>)
      tpu.yield
    }) : () -> ()
    %lt3A = arith.constant 31 : i32
    %lt3A_16 = arith.cmpi slt, %add3A, %lt3A : i32
    %convert_element_type3A = arith.extui %lt3A_16 : i1 to i32
    %cond3A = arith.constant 0 : i32
    %cond3A_17 = arith.cmpi ne, %convert_element_type3A, %cond3A : i32
    scf.if %cond3A_17 {
      "tpu.region"() ({
        %run_scoped3A = tpu.sem_alloc : memref<!tpu.dma_semaphore, #tpu.memory_space<semaphore_mem>>
        %dma_start3A = arith.constant 0 : i32
        %dma_start3A_44 = tpu.memref_slice %arg2[%mul3A_2, %dma_start3A] : memref<2500x128xi32, #tpu.memory_space<hbm>> -> memref<80x128xi32, #tpu.memory_space<hbm>>
        %dma_start3A_45 = arith.constant 0 : i32
        %dma_start3A_46 = tpu.memref_slice %arg2[%mul3A_2, %dma_start3A_45] : memref<2500x128xi32, #tpu.memory_space<hbm>> -> memref<80x128xi32, #tpu.memory_space<hbm>>
        tpu.enqueue_dma source(%dma_start3A_46 : memref<80x128xi32, #tpu.memory_space<hbm>>) target(%arg5 : memref<80x128xi32, #tpu.memory_space<vmem>>) target_semaphore(%run_scoped3A : memref<!tpu.dma_semaphore, #tpu.memory_space<semaphore_mem>>)
        %dma_wait3A = arith.constant 0 : i32
        %dma_wait3A_47 = tpu.memref_slice %arg2[%mul3A_2, %dma_wait3A] : memref<2500x128xi32, #tpu.memory_space<hbm>> -> memref<80x128xi32, #tpu.memory_space<hbm>>
        %dma_wait3A_48 = arith.constant 0 : i32
        %dma_wait3A_49 = tpu.memref_slice %arg2[%mul3A_2, %dma_wait3A_48] : memref<2500x128xi32, #tpu.memory_space<hbm>> -> memref<80x128xi32, #tpu.memory_space<hbm>>
        tpu.wait_dma2 semaphore(%run_scoped3A : memref<!tpu.dma_semaphore, #tpu.memory_space<semaphore_mem>>) src(%dma_wait3A_49 : memref<80x128xi32, #tpu.memory_space<hbm>>) dst(%arg5 : memref<80x128xi32, #tpu.memory_space<vmem>>)
        tpu.yield
      }) : () -> ()
    } else {
    }
    %eq3A = arith.constant 31 : i32
    %eq3A_18 = arith.cmpi eq, %add3A, %eq3A : i32
    %convert_element_type3A_19 = arith.extui %eq3A_18 : i1 to i32
    %cond3A_20 = arith.constant 0 : i32
    %cond3A_21 = arith.cmpi ne, %convert_element_type3A_19, %cond3A_20 : i32
    scf.if %cond3A_21 {
      "tpu.region"() ({
        %run_scoped3A_44 = tpu.sem_alloc : memref<!tpu.dma_semaphore, #tpu.memory_space<semaphore_mem>>
        %dma_start3A = arith.constant 0 : i32
        %dma_start3A_45 = arith.constant 0 : i32
        %dma_start3A_46 = tpu.memref_slice %arg5[%dma_start3A, %dma_start3A_45] : memref<80x128xi32, #tpu.memory_space<vmem>> -> memref<16x128xi32, #tpu.memory_space<vmem>>
        %dma_start3A_47 = arith.constant 0 : i32
        %dma_start3A_48 = tpu.memref_slice %arg2[%mul3A_2, %dma_start3A_47] : memref<2500x128xi32, #tpu.memory_space<hbm>> -> memref<16x128xi32, #tpu.memory_space<hbm>>
        %dma_start3A_49 = arith.constant 0 : i32
        %dma_start3A_50 = arith.constant 0 : i32
        %dma_start3A_51 = tpu.memref_slice %arg5[%dma_start3A_49, %dma_start3A_50] : memref<80x128xi32, #tpu.memory_space<vmem>> -> memref<16x128xi32, #tpu.memory_space<vmem>>
        %dma_start3A_52 = arith.constant 0 : i32
        %dma_start3A_53 = tpu.memref_slice %arg2[%mul3A_2, %dma_start3A_52] : memref<2500x128xi32, #tpu.memory_space<hbm>> -> memref<16x128xi32, #tpu.memory_space<hbm>>
        tpu.enqueue_dma source(%dma_start3A_53 : memref<16x128xi32, #tpu.memory_space<hbm>>) target(%dma_start3A_51 : memref<16x128xi32, #tpu.memory_space<vmem>>) target_semaphore(%run_scoped3A_44 : memref<!tpu.dma_semaphore, #tpu.memory_space<semaphore_mem>>)
        %dma_wait3A = arith.constant 0 : i32
        %dma_wait3A_54 = arith.constant 0 : i32
        %dma_wait3A_55 = tpu.memref_slice %arg5[%dma_wait3A, %dma_wait3A_54] : memref<80x128xi32, #tpu.memory_space<vmem>> -> memref<16x128xi32, #tpu.memory_space<vmem>>
        %dma_wait3A_56 = arith.constant 0 : i32
        %dma_wait3A_57 = tpu.memref_slice %arg2[%mul3A_2, %dma_wait3A_56] : memref<2500x128xi32, #tpu.memory_space<hbm>> -> memref<16x128xi32, #tpu.memory_space<hbm>>
        %dma_wait3A_58 = arith.constant 0 : i32
        %dma_wait3A_59 = arith.constant 0 : i32
        %dma_wait3A_60 = tpu.memref_slice %arg5[%dma_wait3A_58, %dma_wait3A_59] : memref<80x128xi32, #tpu.memory_space<vmem>> -> memref<16x128xi32, #tpu.memory_space<vmem>>
        %dma_wait3A_61 = arith.constant 0 : i32
        %dma_wait3A_62 = tpu.memref_slice %arg2[%mul3A_2, %dma_wait3A_61] : memref<2500x128xi32, #tpu.memory_space<hbm>> -> memref<16x128xi32, #tpu.memory_space<hbm>>
        tpu.wait_dma2 semaphore(%run_scoped3A_44 : memref<!tpu.dma_semaphore, #tpu.memory_space<semaphore_mem>>) src(%dma_wait3A_62 : memref<16x128xi32, #tpu.memory_space<hbm>>) dst(%dma_wait3A_60 : memref<16x128xi32, #tpu.memory_space<vmem>>)
        tpu.yield
      }) : () -> ()
      %run_scoped3A = arith.constant 1 : i32
      "tpu.region"() ({
        %run_scoped3A_44 = tpu.sem_alloc : memref<!tpu.dma_semaphore, #tpu.memory_space<semaphore_mem>>
        %dma_start3A = arith.constant 16 : i32
        %dma_start3A_45 = arith.constant 0 : i32
        %dma_start3A_46 = tpu.memref_slice %arg5[%dma_start3A, %dma_start3A_45] : memref<80x128xi32, #tpu.memory_space<vmem>> -> memref<8x128xi32, #tpu.memory_space<vmem>>
        %dma_start3A_47 = arith.constant 0 : i32
        %dma_start3A_48 = arith.constant 0 : i32
        %dma_start3A_49 = tpu.memref_slice %arg3[%run_scoped3A, %dma_start3A_47, %dma_start3A_48] : memref<2x8x128xi32, #tpu.memory_space<hbm>> -> memref<1x8x128xi32, #tpu.memory_space<hbm>>
        %dma_start3A_50 = tpu.memref_squeeze %dma_start3A_49 : memref<1x8x128xi32, #tpu.memory_space<hbm>> -> memref<8x128xi32, #tpu.memory_space<hbm>>
        %dma_start3A_51 = arith.constant 16 : i32
        %dma_start3A_52 = arith.constant 0 : i32
        %dma_start3A_53 = tpu.memref_slice %arg5[%dma_start3A_51, %dma_start3A_52] : memref<80x128xi32, #tpu.memory_space<vmem>> -> memref<8x128xi32, #tpu.memory_space<vmem>>
        %dma_start3A_54 = arith.constant 0 : i32
        %dma_start3A_55 = arith.constant 0 : i32
        %dma_start3A_56 = tpu.memref_slice %arg3[%run_scoped3A, %dma_start3A_54, %dma_start3A_55] : memref<2x8x128xi32, #tpu.memory_space<hbm>> -> memref<1x8x128xi32, #tpu.memory_space<hbm>>
        %dma_start3A_57 = tpu.memref_squeeze %dma_start3A_56 : memref<1x8x128xi32, #tpu.memory_space<hbm>> -> memref<8x128xi32, #tpu.memory_space<hbm>>
        tpu.enqueue_dma source(%dma_start3A_57 : memref<8x128xi32, #tpu.memory_space<hbm>>) target(%dma_start3A_53 : memref<8x128xi32, #tpu.memory_space<vmem>>) target_semaphore(%run_scoped3A_44 : memref<!tpu.dma_semaphore, #tpu.memory_space<semaphore_mem>>)
        %dma_wait3A = arith.constant 16 : i32
        %dma_wait3A_58 = arith.constant 0 : i32
        %dma_wait3A_59 = tpu.memref_slice %arg5[%dma_wait3A, %dma_wait3A_58] : memref<80x128xi32, #tpu.memory_space<vmem>> -> memref<8x128xi32, #tpu.memory_space<vmem>>
        %dma_wait3A_60 = arith.constant 0 : i32
        %dma_wait3A_61 = arith.constant 0 : i32
        %dma_wait3A_62 = tpu.memref_slice %arg3[%run_scoped3A, %dma_wait3A_60, %dma_wait3A_61] : memref<2x8x128xi32, #tpu.memory_space<hbm>> -> memref<1x8x128xi32, #tpu.memory_space<hbm>>
        %dma_wait3A_63 = tpu.memref_squeeze %dma_wait3A_62 : memref<1x8x128xi32, #tpu.memory_space<hbm>> -> memref<8x128xi32, #tpu.memory_space<hbm>>
        %dma_wait3A_64 = arith.constant 16 : i32
        %dma_wait3A_65 = arith.constant 0 : i32
        %dma_wait3A_66 = tpu.memref_slice %arg5[%dma_wait3A_64, %dma_wait3A_65] : memref<80x128xi32, #tpu.memory_space<vmem>> -> memref<8x128xi32, #tpu.memory_space<vmem>>
        %dma_wait3A_67 = arith.constant 0 : i32
        %dma_wait3A_68 = arith.constant 0 : i32
        %dma_wait3A_69 = tpu.memref_slice %arg3[%run_scoped3A, %dma_wait3A_67, %dma_wait3A_68] : memref<2x8x128xi32, #tpu.memory_space<hbm>> -> memref<1x8x128xi32, #tpu.memory_space<hbm>>
        %dma_wait3A_70 = tpu.memref_squeeze %dma_wait3A_69 : memref<1x8x128xi32, #tpu.memory_space<hbm>> -> memref<8x128xi32, #tpu.memory_space<hbm>>
        tpu.wait_dma2 semaphore(%run_scoped3A_44 : memref<!tpu.dma_semaphore, #tpu.memory_space<semaphore_mem>>) src(%dma_wait3A_70 : memref<8x128xi32, #tpu.memory_space<hbm>>) dst(%dma_wait3A_66 : memref<8x128xi32, #tpu.memory_space<vmem>>)
        tpu.yield
      }) : () -> ()
    } else {
    }
    %barrier3A = arith.constant 0 : index
    tpu.barrier barrier_id(%barrier3A)
    %while3A = arith.constant 0 : i32
    %while3A_22 = arith.subi %min3A_4, %while3A : i32
    %while3A_23 = arith.addi %while3A, %while3A_22 : i32
    %while3A_24 = arith.constant 1 : i32
    %while3A_25 = arith.divsi %while3A_22, %while3A_24 : i32
    %while3A_26 = arith.muli %while3A_25, %while3A_24 : i32
    %while3A_27 = arith.addi %while3A, %while3A_26 : i32
    %while3A_28 = arith.constant 1 : i32
    scf.for %while3A_44 = %while3A to %while3A_27 step %while3A_28  : i32 {
      %dma_start3A = arith.constant 0 : i32
      %dma_start3A_45 = tpu.memref_slice %arg5[%while3A_44, %dma_start3A] : memref<80x128xi32, #tpu.memory_space<vmem>> -> memref<1x128xi32, #tpu.memory_space<vmem>>
      %dma_start3A_46 = tpu.memref_squeeze %dma_start3A_45 : memref<1x128xi32, #tpu.memory_space<vmem>> -> memref<128xi32, #tpu.memory_space<vmem>>
      %dma_start3A_47 = arith.constant 0 : i32
      %dma_start3A_48 = tpu.memref_slice %arg8[%dma_start3A_47] : memref<10240xf32, #tpu.memory_space<vmem_shared>> -> memref<10240xf32, #tpu.memory_space<vmem_shared>>
      tpu.enqueue_indirect_dma source(%arg6 : memref<128xf32, #tpu.memory_space<vmem>>) target(%dma_start3A_48 : memref<10240xf32, #tpu.memory_space<vmem_shared>>) offsets(%dma_start3A_46 : memref<128xi32, #tpu.memory_space<vmem>>) semaphore(%arg9 : memref<!tpu.dma_semaphore, #tpu.memory_space<semaphore_mem>>) {add = true}
    }
    %while3A_29 = arith.constant 1 : i32
    scf.for %while3A_44 = %while3A_27 to %while3A_23 step %while3A_29  : i32 {
      %dma_start3A = arith.constant 0 : i32
      %dma_start3A_45 = tpu.memref_slice %arg5[%while3A_44, %dma_start3A] : memref<80x128xi32, #tpu.memory_space<vmem>> -> memref<1x128xi32, #tpu.memory_space<vmem>>
      %dma_start3A_46 = tpu.memref_squeeze %dma_start3A_45 : memref<1x128xi32, #tpu.memory_space<vmem>> -> memref<128xi32, #tpu.memory_space<vmem>>
      %dma_start3A_47 = arith.constant 0 : i32
      %dma_start3A_48 = tpu.memref_slice %arg8[%dma_start3A_47] : memref<10240xf32, #tpu.memory_space<vmem_shared>> -> memref<10240xf32, #tpu.memory_space<vmem_shared>>
      tpu.enqueue_indirect_dma source(%arg6 : memref<128xf32, #tpu.memory_space<vmem>>) target(%dma_start3A_48 : memref<10240xf32, #tpu.memory_space<vmem_shared>>) offsets(%dma_start3A_46 : memref<128xi32, #tpu.memory_space<vmem>>) semaphore(%arg9 : memref<!tpu.dma_semaphore, #tpu.memory_space<semaphore_mem>>) {add = true}
    }
    %while3A_30 = arith.constant 0 : i32
    %while3A_31 = arith.subi %min3A_4, %while3A_30 : i32
    %while3A_32 = arith.addi %while3A_30, %while3A_31 : i32
    %while3A_33 = arith.constant 1 : i32
    %while3A_34 = arith.divsi %while3A_31, %while3A_33 : i32
    %while3A_35 = arith.muli %while3A_34, %while3A_33 : i32
    %while3A_36 = arith.addi %while3A_30, %while3A_35 : i32
    %while3A_37 = arith.constant 1 : i32
    scf.for %while3A_44 = %while3A_30 to %while3A_36 step %while3A_37  : i32 {
      %dma_wait3A = arith.constant 0 : i32
      %dma_wait3A_45 = arith.constant 0 : i32
      %dma_wait3A_46 = tpu.memref_slice %arg5[%dma_wait3A, %dma_wait3A_45] : memref<80x128xi32, #tpu.memory_space<vmem>> -> memref<1x128xi32, #tpu.memory_space<vmem>>
      %dma_wait3A_47 = tpu.memref_squeeze %dma_wait3A_46 : memref<1x128xi32, #tpu.memory_space<vmem>> -> memref<128xi32, #tpu.memory_space<vmem>>
      %dma_wait3A_48 = arith.constant 0 : i32
      %dma_wait3A_49 = tpu.memref_slice %arg8[%dma_wait3A_48] : memref<10240xf32, #tpu.memory_space<vmem_shared>> -> memref<10240xf32, #tpu.memory_space<vmem_shared>>
      tpu.wait_indirect_dma semaphore(%arg9 : memref<!tpu.dma_semaphore, #tpu.memory_space<semaphore_mem>>) src(%arg6 : memref<128xf32, #tpu.memory_space<vmem>>) dst(%dma_wait3A_49 : memref<10240xf32, #tpu.memory_space<vmem_shared>>)
    }
    %while3A_38 = arith.constant 1 : i32
    scf.for %while3A_44 = %while3A_36 to %while3A_32 step %while3A_38  : i32 {
      %dma_wait3A = arith.constant 0 : i32
      %dma_wait3A_45 = arith.constant 0 : i32
      %dma_wait3A_46 = tpu.memref_slice %arg5[%dma_wait3A, %dma_wait3A_45] : memref<80x128xi32, #tpu.memory_space<vmem>> -> memref<1x128xi32, #tpu.memory_space<vmem>>
      %dma_wait3A_47 = tpu.memref_squeeze %dma_wait3A_46 : memref<1x128xi32, #tpu.memory_space<vmem>> -> memref<128xi32, #tpu.memory_space<vmem>>
      %dma_wait3A_48 = arith.constant 0 : i32
      %dma_wait3A_49 = tpu.memref_slice %arg8[%dma_wait3A_48] : memref<10240xf32, #tpu.memory_space<vmem_shared>> -> memref<10240xf32, #tpu.memory_space<vmem_shared>>
      tpu.wait_indirect_dma semaphore(%arg9 : memref<!tpu.dma_semaphore, #tpu.memory_space<semaphore_mem>>) src(%arg6 : memref<128xf32, #tpu.memory_space<vmem>>) dst(%dma_wait3A_49 : memref<10240xf32, #tpu.memory_space<vmem_shared>>)
    }
    %barrier3A_39 = arith.constant 0 : index
    tpu.barrier barrier_id(%barrier3A_39)
    %mul3A_40 = arith.constant 640 : i32
    %mul3A_41 = arith.muli %arg1, %mul3A_40 : i32
    "tpu.region"() ({
      %run_scoped3A = tpu.sem_alloc : memref<!tpu.dma_semaphore, #tpu.memory_space<semaphore_mem>>
      %dma_start3A = tpu.memref_slice %arg8[%mul3A_41] : memref<10240xf32, #tpu.memory_space<vmem_shared>> -> memref<640xf32, #tpu.memory_space<vmem_shared>>
      %dma_start3A_44 = tpu.memref_slice %arg8[%mul3A_41] : memref<10240xf32, #tpu.memory_space<vmem_shared>> -> memref<640xf32, #tpu.memory_space<vmem_shared>>
      tpu.enqueue_dma source(%dma_start3A_44 : memref<640xf32, #tpu.memory_space<vmem_shared>>) target(%arg7 : memref<640xf32, #tpu.memory_space<vmem>>) target_semaphore(%run_scoped3A : memref<!tpu.dma_semaphore, #tpu.memory_space<semaphore_mem>>)
      %dma_wait3A = tpu.memref_slice %arg8[%mul3A_41] : memref<10240xf32, #tpu.memory_space<vmem_shared>> -> memref<640xf32, #tpu.memory_space<vmem_shared>>
      %dma_wait3A_45 = tpu.memref_slice %arg8[%mul3A_41] : memref<10240xf32, #tpu.memory_space<vmem_shared>> -> memref<640xf32, #tpu.memory_space<vmem_shared>>
      tpu.wait_dma2 semaphore(%run_scoped3A : memref<!tpu.dma_semaphore, #tpu.memory_space<semaphore_mem>>) src(%dma_wait3A_45 : memref<640xf32, #tpu.memory_space<vmem_shared>>) dst(%arg7 : memref<640xf32, #tpu.memory_space<vmem>>)
      tpu.yield
    }) : () -> ()
    %mul3A_42 = arith.constant 640 : i32
    %mul3A_43 = arith.muli %arg1, %mul3A_42 : i32
    "tpu.region"() ({
      %run_scoped3A = tpu.sem_alloc : memref<!tpu.dma_semaphore, #tpu.memory_space<semaphore_mem>>
      %dma_start3A = tpu.memref_slice %arg4[%arg0, %mul3A_43] : memref<2x10240xf32, #tpu.memory_space<hbm>> -> memref<1x640xf32, #tpu.memory_space<hbm>>
      %dma_start3A_44 = tpu.memref_squeeze %dma_start3A : memref<1x640xf32, #tpu.memory_space<hbm>> -> memref<640xf32, #tpu.memory_space<hbm>>
      %dma_start3A_45 = tpu.memref_slice %arg4[%arg0, %mul3A_43] : memref<2x10240xf32, #tpu.memory_space<hbm>> -> memref<1x640xf32, #tpu.memory_space<hbm>>
      %dma_start3A_46 = tpu.memref_squeeze %dma_start3A_45 : memref<1x640xf32, #tpu.memory_space<hbm>> -> memref<640xf32, #tpu.memory_space<hbm>>
      tpu.enqueue_dma source(%arg7 : memref<640xf32, #tpu.memory_space<vmem>>) target(%dma_start3A_46 : memref<640xf32, #tpu.memory_space<hbm>>) target_semaphore(%run_scoped3A : memref<!tpu.dma_semaphore, #tpu.memory_space<semaphore_mem>>)
      %dma_wait3A = tpu.memref_slice %arg4[%arg0, %mul3A_43] : memref<2x10240xf32, #tpu.memory_space<hbm>> -> memref<1x640xf32, #tpu.memory_space<hbm>>
      %dma_wait3A_47 = tpu.memref_squeeze %dma_wait3A : memref<1x640xf32, #tpu.memory_space<hbm>> -> memref<640xf32, #tpu.memory_space<hbm>>
      %dma_wait3A_48 = tpu.memref_slice %arg4[%arg0, %mul3A_43] : memref<2x10240xf32, #tpu.memory_space<hbm>> -> memref<1x640xf32, #tpu.memory_space<hbm>>
      %dma_wait3A_49 = tpu.memref_squeeze %dma_wait3A_48 : memref<1x640xf32, #tpu.memory_space<hbm>> -> memref<640xf32, #tpu.memory_space<hbm>>
      tpu.wait_dma2 semaphore(%run_scoped3A : memref<!tpu.dma_semaphore, #tpu.memory_space<semaphore_mem>>) src(%arg7 : memref<640xf32, #tpu.memory_space<vmem>>) dst(%dma_wait3A_49 : memref<640xf32, #tpu.memory_space<hbm>>)
      tpu.yield
    }) : () -> ()
    return
  }
}

#map = affine_map<(d0, d1) -> (0, 0)>
#map1 = affine_map<(d0, d1) -> (0, 0, 0)>
module attributes {stable_mosaic.version = 14 : i64} {
  func.func @_scatter_body(%arg0: i32, %arg1: i32, %arg2: memref<10240x128xf32, #tpu.memory_space<hbm>>, %arg3: memref<2500x128xi32, #tpu.memory_space<hbm>>, %arg4: memref<2500x128xi32, #tpu.memory_space<hbm>>, %arg5: memref<2x8x128xi32, #tpu.memory_space<hbm>>, %arg6: memref<2x10240x128xf32, #tpu.memory_space<hbm>>, %arg7: memref<2x8x128xi32, #tpu.memory_space<vmem>>, %arg8: memref<2x8x128xi32, #tpu.memory_space<vmem>>, %arg9: memref<2x128x128xf32, #tpu.memory_space<vmem>>, %arg10: memref<10240x128xf32, #tpu.memory_space<vmem_shared>>, %arg11: memref<2x!tpu.dma_semaphore, #tpu.memory_space<semaphore_mem>>, %arg12: memref<2x!tpu.dma_semaphore, #tpu.memory_space<semaphore_mem>>, %arg13: memref<!tpu.dma_semaphore, #tpu.memory_space<semaphore_mem>>) attributes {dimension_semantics = [#tpu.dimension_semantics<core_parallel>, #tpu.dimension_semantics<subcore_parallel>], iteration_bounds = array<i64: 2, 16>, scalar_prefetch = 0 : i64, scratch_operands = 7 : i64, tpu.core_type = #tpu.core_type<sc_vector_subcore>, window_params = [{transform_indices = #map}, {transform_indices = #map}, {transform_indices = #map}, {transform_indices = #map1}, {transform_indices = #map1}]} {
    %eq3A = arith.constant 0 : i32
    %eq3A_0 = arith.cmpi eq, %arg0, %eq3A : i32
    %mul3A = arith.constant 80 : i32
    %mul3A_1 = arith.muli %arg1, %mul3A : i32
    %mul3A_2 = arith.constant 80 : i32
    %mul3A_3 = arith.muli %arg1, %mul3A_2 : i32
    %add3A = arith.constant 1280 : i32
    %add3A_4 = arith.addi %add3A, %mul3A_3 : i32
    %select_n3A = arith.select %eq3A_0, %mul3A_1, %add3A_4 : i32
    %eq3A_5 = arith.constant 0 : i32
    %eq3A_6 = arith.cmpi eq, %arg0, %eq3A_5 : i32
    %sub3A = arith.constant 2500 : i32
    %sub3A_7 = arith.subi %sub3A, %select_n3A : i32
    %jit3A = arith.constant 0 : i32
    %jit3A_8 = arith.constant 80 : i32
    %max3A = arith.maxsi %jit3A, %sub3A_7 : i32
    %min3A = arith.minsi %jit3A_8, %max3A : i32
    %jit3A_9 = arith.constant 80 : i32
    %select_n3A_10 = arith.select %eq3A_6, %jit3A_9, %min3A : i32
    %scan3A = arith.constant 0 : i32
    %scan3A_11 = arith.constant 1024 : i32
    %scan3A_12 = arith.addi %scan3A, %scan3A_11 : i32
    %scan3A_13 = arith.constant 1 : i32
    scf.for %scan3A_280 = %scan3A to %scan3A_12 step %scan3A_13  : i32 {
      %jit3A_281 = arith.constant 8 : i32
      %div3A = arith.divsi %scan3A_280, %jit3A_281 : i32
      %sign3A = arith.constant 0 : i32
      %sign3A_282 = arith.cmpi sgt, %scan3A_280, %sign3A : i32
      %sign3A_283 = arith.extui %sign3A_282 : i1 to i32
      %sign3A_284 = arith.constant 0 : i32
      %sign3A_285 = arith.cmpi slt, %scan3A_280, %sign3A_284 : i32
      %sign3A_286 = arith.extui %sign3A_285 : i1 to i32
      %sign3A_287 = arith.subi %sign3A_283, %sign3A_286 : i32
      %sign3A_288 = arith.constant 0 : i32
      %sign3A_289 = arith.cmpi sgt, %jit3A_281, %sign3A_288 : i32
      %sign3A_290 = arith.extui %sign3A_289 : i1 to i32
      %sign3A_291 = arith.constant 0 : i32
      %sign3A_292 = arith.cmpi slt, %jit3A_281, %sign3A_291 : i32
      %sign3A_293 = arith.extui %sign3A_292 : i1 to i32
      %sign3A_294 = arith.subi %sign3A_290, %sign3A_293 : i32
      %ne3A = arith.cmpi ne, %sign3A_287, %sign3A_294 : i32
      %rem3A = arith.remsi %scan3A_280, %jit3A_281 : i32
      %ne3A_295 = arith.constant 0 : i32
      %ne3A_296 = arith.cmpi ne, %rem3A, %ne3A_295 : i32
      %and3A = arith.andi %ne3A, %ne3A_296 : i1
      %sub3A_297 = arith.constant 1 : i32
      %sub3A_298 = arith.subi %div3A, %sub3A_297 : i32
      %select_n3A_299 = arith.select %and3A, %sub3A_298, %div3A : i32
      %jit3A_300 = arith.constant 8 : i32
      %eq3A_301 = arith.constant 0 : i32
      %eq3A_302 = arith.cmpi eq, %jit3A_300, %eq3A_301 : i32
      %jit3A_303 = arith.constant 1 : i32
      %select_n3A_304 = arith.select %eq3A_302, %jit3A_303, %jit3A_300 : i32
      %rem3A_305 = arith.remsi %scan3A_280, %select_n3A_304 : i32
      %ne3A_306 = arith.constant 0 : i32
      %ne3A_307 = arith.cmpi ne, %rem3A_305, %ne3A_306 : i32
      %lt3A = arith.constant 0 : i32
      %lt3A_308 = arith.cmpi slt, %rem3A_305, %lt3A : i32
      %lt3A_309 = arith.constant 0 : i32
      %lt3A_310 = arith.cmpi slt, %select_n3A_304, %lt3A_309 : i32
      %ne3A_311 = arith.xori %lt3A_308, %lt3A_310 : i1
      %and3A_312 = arith.andi %ne3A_311, %ne3A_307 : i1
      %add3A_313 = arith.addi %rem3A_305, %select_n3A_304 : i32
      %select_n3A_314 = arith.select %and3A_312, %add3A_313, %rem3A_305 : i32
      %broadcast_in_dim3A = arith.constant 0.000000e+00 : f32
      %broadcast_in_dim3A_315 = vector.broadcast %broadcast_in_dim3A : f32 to vector<16xf32>
      %mul3A_316 = arith.constant 16 : i32
      %mul3A_317 = arith.muli %select_n3A_314, %mul3A_316 : i32
      %swap3A = arith.constant 0 : i32
      %swap3A_318 = arith.index_cast %swap3A : i32 to index
      %swap3A_319 = arith.index_cast %select_n3A_299 : i32 to index
      %swap3A_320 = arith.index_cast %mul3A_317 : i32 to index
      %swap3A_321 = tpu.vector_load %arg9[%swap3A_318, %swap3A_319, %swap3A_320] {strides = array<i32>} : memref<2x128x128xf32, #tpu.memory_space<vmem>>, vector<1x1x16xf32>,
      %swap3A_322 = vector.shape_cast %swap3A_321 : vector<1x1x16xf32> to vector<16xf32>
      %swap3A_323 = vector.shape_cast %broadcast_in_dim3A_315 : vector<16xf32> to vector<1x1x16xf32>
      tpu.vector_store %arg9[%swap3A_318, %swap3A_319, %swap3A_320], %swap3A_323 {strides = array<i32>} : memref<2x128x128xf32, #tpu.memory_space<vmem>>, vector<1x1x16xf32>,
    }
    %scan3A_14 = arith.constant 1024 : i32
    %add3A_15 = arith.constant 0 : i32
    %add3A_16 = arith.addi %arg1, %add3A_15 : i32
    %mul3A_17 = arith.constant 128 : i32
    %mul3A_18 = arith.muli %add3A_16, %mul3A_17 : i32
    %dma_start3A = arith.constant 0 : i32
    %dma_start3A_19 = arith.constant 0 : i32
    %dma_start3A_20 = arith.constant 0 : i32
    %dma_start3A_21 = tpu.memref_slice %arg9[%dma_start3A, %dma_start3A_19, %dma_start3A_20] : memref<2x128x128xf32, #tpu.memory_space<vmem>> -> memref<1x128x128xf32, #tpu.memory_space<vmem>>
    %dma_start3A_22 = tpu.memref_squeeze %dma_start3A_21 : memref<1x128x128xf32, #tpu.memory_space<vmem>> -> memref<128x128xf32, #tpu.memory_space<vmem>>
    %dma_start3A_23 = arith.constant 0 : i32
    %dma_start3A_24 = tpu.memref_slice %arg10[%mul3A_18, %dma_start3A_23] : memref<10240x128xf32, #tpu.memory_space<vmem_shared>> -> memref<128x128xf32, #tpu.memory_space<vmem_shared>>
    %dma_start3A_25 = arith.constant 0 : i32
    %dma_start3A_26 = tpu.memref_slice %arg10[%mul3A_18, %dma_start3A_25] : memref<10240x128xf32, #tpu.memory_space<vmem_shared>> -> memref<128x128xf32, #tpu.memory_space<vmem_shared>>
    %dma_start3A_27 = arith.constant 0 : i32
    %dma_start3A_28 = arith.constant 0 : i32
    %dma_start3A_29 = tpu.memref_slice %arg9[%dma_start3A, %dma_start3A_27, %dma_start3A_28] : memref<2x128x128xf32, #tpu.memory_space<vmem>> -> memref<1x128x128xf32, #tpu.memory_space<vmem>>
    %dma_start3A_30 = tpu.memref_squeeze %dma_start3A_29 : memref<1x128x128xf32, #tpu.memory_space<vmem>> -> memref<128x128xf32, #tpu.memory_space<vmem>>
    tpu.enqueue_dma source(%dma_start3A_30 : memref<128x128xf32, #tpu.memory_space<vmem>>) target(%dma_start3A_26 : memref<128x128xf32, #tpu.memory_space<vmem_shared>>) target_semaphore(%arg13 : memref<!tpu.dma_semaphore, #tpu.memory_space<semaphore_mem>>)
    %add3A_31 = arith.constant 16 : i32
    %add3A_32 = arith.addi %arg1, %add3A_31 : i32
    %mul3A_33 = arith.constant 128 : i32
    %mul3A_34 = arith.muli %add3A_32, %mul3A_33 : i32
    %dma_start3A_35 = arith.constant 0 : i32
    %dma_start3A_36 = arith.constant 0 : i32
    %dma_start3A_37 = arith.constant 0 : i32
    %dma_start3A_38 = tpu.memref_slice %arg9[%dma_start3A_35, %dma_start3A_36, %dma_start3A_37] : memref<2x128x128xf32, #tpu.memory_space<vmem>> -> memref<1x128x128xf32, #tpu.memory_space<vmem>>
    %dma_start3A_39 = tpu.memref_squeeze %dma_start3A_38 : memref<1x128x128xf32, #tpu.memory_space<vmem>> -> memref<128x128xf32, #tpu.memory_space<vmem>>
    %dma_start3A_40 = arith.constant 0 : i32
    %dma_start3A_41 = tpu.memref_slice %arg10[%mul3A_34, %dma_start3A_40] : memref<10240x128xf32, #tpu.memory_space<vmem_shared>> -> memref<128x128xf32, #tpu.memory_space<vmem_shared>>
    %dma_start3A_42 = arith.constant 0 : i32
    %dma_start3A_43 = tpu.memref_slice %arg10[%mul3A_34, %dma_start3A_42] : memref<10240x128xf32, #tpu.memory_space<vmem_shared>> -> memref<128x128xf32, #tpu.memory_space<vmem_shared>>
    %dma_start3A_44 = arith.constant 0 : i32
    %dma_start3A_45 = arith.constant 0 : i32
    %dma_start3A_46 = tpu.memref_slice %arg9[%dma_start3A_35, %dma_start3A_44, %dma_start3A_45] : memref<2x128x128xf32, #tpu.memory_space<vmem>> -> memref<1x128x128xf32, #tpu.memory_space<vmem>>
    %dma_start3A_47 = tpu.memref_squeeze %dma_start3A_46 : memref<1x128x128xf32, #tpu.memory_space<vmem>> -> memref<128x128xf32, #tpu.memory_space<vmem>>
    tpu.enqueue_dma source(%dma_start3A_47 : memref<128x128xf32, #tpu.memory_space<vmem>>) target(%dma_start3A_43 : memref<128x128xf32, #tpu.memory_space<vmem_shared>>) target_semaphore(%arg13 : memref<!tpu.dma_semaphore, #tpu.memory_space<semaphore_mem>>)
    %add3A_48 = arith.constant 32 : i32
    %add3A_49 = arith.addi %arg1, %add3A_48 : i32
    %mul3A_50 = arith.constant 128 : i32
    %mul3A_51 = arith.muli %add3A_49, %mul3A_50 : i32
    %dma_start3A_52 = arith.constant 0 : i32
    %dma_start3A_53 = arith.constant 0 : i32
    %dma_start3A_54 = arith.constant 0 : i32
    %dma_start3A_55 = tpu.memref_slice %arg9[%dma_start3A_52, %dma_start3A_53, %dma_start3A_54] : memref<2x128x128xf32, #tpu.memory_space<vmem>> -> memref<1x128x128xf32, #tpu.memory_space<vmem>>
    %dma_start3A_56 = tpu.memref_squeeze %dma_start3A_55 : memref<1x128x128xf32, #tpu.memory_space<vmem>> -> memref<128x128xf32, #tpu.memory_space<vmem>>
    %dma_start3A_57 = arith.constant 0 : i32
    %dma_start3A_58 = tpu.memref_slice %arg10[%mul3A_51, %dma_start3A_57] : memref<10240x128xf32, #tpu.memory_space<vmem_shared>> -> memref<128x128xf32, #tpu.memory_space<vmem_shared>>
    %dma_start3A_59 = arith.constant 0 : i32
    %dma_start3A_60 = tpu.memref_slice %arg10[%mul3A_51, %dma_start3A_59] : memref<10240x128xf32, #tpu.memory_space<vmem_shared>> -> memref<128x128xf32, #tpu.memory_space<vmem_shared>>
    %dma_start3A_61 = arith.constant 0 : i32
    %dma_start3A_62 = arith.constant 0 : i32
    %dma_start3A_63 = tpu.memref_slice %arg9[%dma_start3A_52, %dma_start3A_61, %dma_start3A_62] : memref<2x128x128xf32, #tpu.memory_space<vmem>> -> memref<1x128x128xf32, #tpu.memory_space<vmem>>
    %dma_start3A_64 = tpu.memref_squeeze %dma_start3A_63 : memref<1x128x128xf32, #tpu.memory_space<vmem>> -> memref<128x128xf32, #tpu.memory_space<vmem>>
    tpu.enqueue_dma source(%dma_start3A_64 : memref<128x128xf32, #tpu.memory_space<vmem>>) target(%dma_start3A_60 : memref<128x128xf32, #tpu.memory_space<vmem_shared>>) target_semaphore(%arg13 : memref<!tpu.dma_semaphore, #tpu.memory_space<semaphore_mem>>)
    %add3A_65 = arith.constant 48 : i32
    %add3A_66 = arith.addi %arg1, %add3A_65 : i32
    %mul3A_67 = arith.constant 128 : i32
    %mul3A_68 = arith.muli %add3A_66, %mul3A_67 : i32
    %dma_start3A_69 = arith.constant 0 : i32
    %dma_start3A_70 = arith.constant 0 : i32
    %dma_start3A_71 = arith.constant 0 : i32
    %dma_start3A_72 = tpu.memref_slice %arg9[%dma_start3A_69, %dma_start3A_70, %dma_start3A_71] : memref<2x128x128xf32, #tpu.memory_space<vmem>> -> memref<1x128x128xf32, #tpu.memory_space<vmem>>
    %dma_start3A_73 = tpu.memref_squeeze %dma_start3A_72 : memref<1x128x128xf32, #tpu.memory_space<vmem>> -> memref<128x128xf32, #tpu.memory_space<vmem>>
    %dma_start3A_74 = arith.constant 0 : i32
    %dma_start3A_75 = tpu.memref_slice %arg10[%mul3A_68, %dma_start3A_74] : memref<10240x128xf32, #tpu.memory_space<vmem_shared>> -> memref<128x128xf32, #tpu.memory_space<vmem_shared>>
    %dma_start3A_76 = arith.constant 0 : i32
    %dma_start3A_77 = tpu.memref_slice %arg10[%mul3A_68, %dma_start3A_76] : memref<10240x128xf32, #tpu.memory_space<vmem_shared>> -> memref<128x128xf32, #tpu.memory_space<vmem_shared>>
    %dma_start3A_78 = arith.constant 0 : i32
    %dma_start3A_79 = arith.constant 0 : i32
    %dma_start3A_80 = tpu.memref_slice %arg9[%dma_start3A_69, %dma_start3A_78, %dma_start3A_79] : memref<2x128x128xf32, #tpu.memory_space<vmem>> -> memref<1x128x128xf32, #tpu.memory_space<vmem>>
    %dma_start3A_81 = tpu.memref_squeeze %dma_start3A_80 : memref<1x128x128xf32, #tpu.memory_space<vmem>> -> memref<128x128xf32, #tpu.memory_space<vmem>>
    tpu.enqueue_dma source(%dma_start3A_81 : memref<128x128xf32, #tpu.memory_space<vmem>>) target(%dma_start3A_77 : memref<128x128xf32, #tpu.memory_space<vmem_shared>>) target_semaphore(%arg13 : memref<!tpu.dma_semaphore, #tpu.memory_space<semaphore_mem>>)
    %add3A_82 = arith.constant 64 : i32
    %add3A_83 = arith.addi %arg1, %add3A_82 : i32
    %mul3A_84 = arith.constant 128 : i32
    %mul3A_85 = arith.muli %add3A_83, %mul3A_84 : i32
    %dma_start3A_86 = arith.constant 0 : i32
    %dma_start3A_87 = arith.constant 0 : i32
    %dma_start3A_88 = arith.constant 0 : i32
    %dma_start3A_89 = tpu.memref_slice %arg9[%dma_start3A_86, %dma_start3A_87, %dma_start3A_88] : memref<2x128x128xf32, #tpu.memory_space<vmem>> -> memref<1x128x128xf32, #tpu.memory_space<vmem>>
    %dma_start3A_90 = tpu.memref_squeeze %dma_start3A_89 : memref<1x128x128xf32, #tpu.memory_space<vmem>> -> memref<128x128xf32, #tpu.memory_space<vmem>>
    %dma_start3A_91 = arith.constant 0 : i32
    %dma_start3A_92 = tpu.memref_slice %arg10[%mul3A_85, %dma_start3A_91] : memref<10240x128xf32, #tpu.memory_space<vmem_shared>> -> memref<128x128xf32, #tpu.memory_space<vmem_shared>>
    %dma_start3A_93 = arith.constant 0 : i32
    %dma_start3A_94 = tpu.memref_slice %arg10[%mul3A_85, %dma_start3A_93] : memref<10240x128xf32, #tpu.memory_space<vmem_shared>> -> memref<128x128xf32, #tpu.memory_space<vmem_shared>>
    %dma_start3A_95 = arith.constant 0 : i32
    %dma_start3A_96 = arith.constant 0 : i32
    %dma_start3A_97 = tpu.memref_slice %arg9[%dma_start3A_86, %dma_start3A_95, %dma_start3A_96] : memref<2x128x128xf32, #tpu.memory_space<vmem>> -> memref<1x128x128xf32, #tpu.memory_space<vmem>>
    %dma_start3A_98 = tpu.memref_squeeze %dma_start3A_97 : memref<1x128x128xf32, #tpu.memory_space<vmem>> -> memref<128x128xf32, #tpu.memory_space<vmem>>
    tpu.enqueue_dma source(%dma_start3A_98 : memref<128x128xf32, #tpu.memory_space<vmem>>) target(%dma_start3A_94 : memref<128x128xf32, #tpu.memory_space<vmem_shared>>) target_semaphore(%arg13 : memref<!tpu.dma_semaphore, #tpu.memory_space<semaphore_mem>>)
    %run_scoped3A = arith.constant 0 : i32
    "tpu.region"() ({
      %run_scoped3A_280 = tpu.sem_alloc : memref<!tpu.dma_semaphore, #tpu.memory_space<semaphore_mem>>
      %dma_start3A_281 = arith.constant 0 : i32
      %dma_start3A_282 = arith.constant 0 : i32
      %dma_start3A_283 = tpu.memref_slice %arg7[%run_scoped3A, %dma_start3A_281, %dma_start3A_282] : memref<2x8x128xi32, #tpu.memory_space<vmem>> -> memref<1x8x128xi32, #tpu.memory_space<vmem>>
      %dma_start3A_284 = tpu.memref_squeeze %dma_start3A_283 : memref<1x8x128xi32, #tpu.memory_space<vmem>> -> memref<8x128xi32, #tpu.memory_space<vmem>>
      %dma_start3A_285 = arith.constant 0 : i32
      %dma_start3A_286 = tpu.memref_slice %arg3[%select_n3A, %dma_start3A_285] : memref<2500x128xi32, #tpu.memory_space<hbm>> -> memref<8x128xi32, #tpu.memory_space<hbm>>
      %dma_start3A_287 = arith.constant 0 : i32
      %dma_start3A_288 = arith.constant 0 : i32
      %dma_start3A_289 = tpu.memref_slice %arg7[%run_scoped3A, %dma_start3A_287, %dma_start3A_288] : memref<2x8x128xi32, #tpu.memory_space<vmem>> -> memref<1x8x128xi32, #tpu.memory_space<vmem>>
      %dma_start3A_290 = tpu.memref_squeeze %dma_start3A_289 : memref<1x8x128xi32, #tpu.memory_space<vmem>> -> memref<8x128xi32, #tpu.memory_space<vmem>>
      %dma_start3A_291 = arith.constant 0 : i32
      %dma_start3A_292 = tpu.memref_slice %arg3[%select_n3A, %dma_start3A_291] : memref<2500x128xi32, #tpu.memory_space<hbm>> -> memref<8x128xi32, #tpu.memory_space<hbm>>
      tpu.enqueue_dma source(%dma_start3A_292 : memref<8x128xi32, #tpu.memory_space<hbm>>) target(%dma_start3A_290 : memref<8x128xi32, #tpu.memory_space<vmem>>) target_semaphore(%run_scoped3A_280 : memref<!tpu.dma_semaphore, #tpu.memory_space<semaphore_mem>>)
      %dma_wait3A_293 = arith.constant 0 : i32
      %dma_wait3A_294 = arith.constant 0 : i32
      %dma_wait3A_295 = tpu.memref_slice %arg7[%run_scoped3A, %dma_wait3A_293, %dma_wait3A_294] : memref<2x8x128xi32, #tpu.memory_space<vmem>> -> memref<1x8x128xi32, #tpu.memory_space<vmem>>
      %dma_wait3A_296 = tpu.memref_squeeze %dma_wait3A_295 : memref<1x8x128xi32, #tpu.memory_space<vmem>> -> memref<8x128xi32, #tpu.memory_space<vmem>>
      %dma_wait3A_297 = arith.constant 0 : i32
      %dma_wait3A_298 = tpu.memref_slice %arg3[%select_n3A, %dma_wait3A_297] : memref<2500x128xi32, #tpu.memory_space<hbm>> -> memref<8x128xi32, #tpu.memory_space<hbm>>
      %dma_wait3A_299 = arith.constant 0 : i32
      %dma_wait3A_300 = arith.constant 0 : i32
      %dma_wait3A_301 = tpu.memref_slice %arg7[%run_scoped3A, %dma_wait3A_299, %dma_wait3A_300] : memref<2x8x128xi32, #tpu.memory_space<vmem>> -> memref<1x8x128xi32, #tpu.memory_space<vmem>>
      %dma_wait3A_302 = tpu.memref_squeeze %dma_wait3A_301 : memref<1x8x128xi32, #tpu.memory_space<vmem>> -> memref<8x128xi32, #tpu.memory_space<vmem>>
      %dma_wait3A_303 = arith.constant 0 : i32
      %dma_wait3A_304 = tpu.memref_slice %arg3[%select_n3A, %dma_wait3A_303] : memref<2500x128xi32, #tpu.memory_space<hbm>> -> memref<8x128xi32, #tpu.memory_space<hbm>>
      tpu.wait_dma2 semaphore(%run_scoped3A_280 : memref<!tpu.dma_semaphore, #tpu.memory_space<semaphore_mem>>) src(%dma_wait3A_304 : memref<8x128xi32, #tpu.memory_space<hbm>>) dst(%dma_wait3A_302 : memref<8x128xi32, #tpu.memory_space<vmem>>)
      tpu.yield
    }) : () -> ()
    %run_scoped3A_99 = arith.constant 0 : i32
    "tpu.region"() ({
      %run_scoped3A_280 = tpu.sem_alloc : memref<!tpu.dma_semaphore, #tpu.memory_space<semaphore_mem>>
      %dma_start3A_281 = arith.constant 0 : i32
      %dma_start3A_282 = arith.constant 0 : i32
      %dma_start3A_283 = tpu.memref_slice %arg8[%run_scoped3A_99, %dma_start3A_281, %dma_start3A_282] : memref<2x8x128xi32, #tpu.memory_space<vmem>> -> memref<1x8x128xi32, #tpu.memory_space<vmem>>
      %dma_start3A_284 = tpu.memref_squeeze %dma_start3A_283 : memref<1x8x128xi32, #tpu.memory_space<vmem>> -> memref<8x128xi32, #tpu.memory_space<vmem>>
      %dma_start3A_285 = arith.constant 0 : i32
      %dma_start3A_286 = tpu.memref_slice %arg4[%select_n3A, %dma_start3A_285] : memref<2500x128xi32, #tpu.memory_space<hbm>> -> memref<8x128xi32, #tpu.memory_space<hbm>>
      %dma_start3A_287 = arith.constant 0 : i32
      %dma_start3A_288 = arith.constant 0 : i32
      %dma_start3A_289 = tpu.memref_slice %arg8[%run_scoped3A_99, %dma_start3A_287, %dma_start3A_288] : memref<2x8x128xi32, #tpu.memory_space<vmem>> -> memref<1x8x128xi32, #tpu.memory_space<vmem>>
      %dma_start3A_290 = tpu.memref_squeeze %dma_start3A_289 : memref<1x8x128xi32, #tpu.memory_space<vmem>> -> memref<8x128xi32, #tpu.memory_space<vmem>>
      %dma_start3A_291 = arith.constant 0 : i32
      %dma_start3A_292 = tpu.memref_slice %arg4[%select_n3A, %dma_start3A_291] : memref<2500x128xi32, #tpu.memory_space<hbm>> -> memref<8x128xi32, #tpu.memory_space<hbm>>
      tpu.enqueue_dma source(%dma_start3A_292 : memref<8x128xi32, #tpu.memory_space<hbm>>) target(%dma_start3A_290 : memref<8x128xi32, #tpu.memory_space<vmem>>) target_semaphore(%run_scoped3A_280 : memref<!tpu.dma_semaphore, #tpu.memory_space<semaphore_mem>>)
      %dma_wait3A_293 = arith.constant 0 : i32
      %dma_wait3A_294 = arith.constant 0 : i32
      %dma_wait3A_295 = tpu.memref_slice %arg8[%run_scoped3A_99, %dma_wait3A_293, %dma_wait3A_294] : memref<2x8x128xi32, #tpu.memory_space<vmem>> -> memref<1x8x128xi32, #tpu.memory_space<vmem>>
      %dma_wait3A_296 = tpu.memref_squeeze %dma_wait3A_295 : memref<1x8x128xi32, #tpu.memory_space<vmem>> -> memref<8x128xi32, #tpu.memory_space<vmem>>
      %dma_wait3A_297 = arith.constant 0 : i32
      %dma_wait3A_298 = tpu.memref_slice %arg4[%select_n3A, %dma_wait3A_297] : memref<2500x128xi32, #tpu.memory_space<hbm>> -> memref<8x128xi32, #tpu.memory_space<hbm>>
      %dma_wait3A_299 = arith.constant 0 : i32
      %dma_wait3A_300 = arith.constant 0 : i32
      %dma_wait3A_301 = tpu.memref_slice %arg8[%run_scoped3A_99, %dma_wait3A_299, %dma_wait3A_300] : memref<2x8x128xi32, #tpu.memory_space<vmem>> -> memref<1x8x128xi32, #tpu.memory_space<vmem>>
      %dma_wait3A_302 = tpu.memref_squeeze %dma_wait3A_301 : memref<1x8x128xi32, #tpu.memory_space<vmem>> -> memref<8x128xi32, #tpu.memory_space<vmem>>
      %dma_wait3A_303 = arith.constant 0 : i32
      %dma_wait3A_304 = tpu.memref_slice %arg4[%select_n3A, %dma_wait3A_303] : memref<2500x128xi32, #tpu.memory_space<hbm>> -> memref<8x128xi32, #tpu.memory_space<hbm>>
      tpu.wait_dma2 semaphore(%run_scoped3A_280 : memref<!tpu.dma_semaphore, #tpu.memory_space<semaphore_mem>>) src(%dma_wait3A_304 : memref<8x128xi32, #tpu.memory_space<hbm>>) dst(%dma_wait3A_302 : memref<8x128xi32, #tpu.memory_space<vmem>>)
      tpu.yield
    }) : () -> ()
    %dma_wait3A = arith.constant 0 : i32
    %dma_wait3A_100 = arith.constant 0 : i32
    %dma_wait3A_101 = arith.constant 0 : i32
    %dma_wait3A_102 = tpu.memref_slice %arg9[%dma_wait3A, %dma_wait3A_100, %dma_wait3A_101] : memref<2x128x128xf32, #tpu.memory_space<vmem>> -> memref<1x128x128xf32, #tpu.memory_space<vmem>>
    %dma_wait3A_103 = tpu.memref_squeeze %dma_wait3A_102 : memref<1x128x128xf32, #tpu.memory_space<vmem>> -> memref<128x128xf32, #tpu.memory_space<vmem>>
    %dma_wait3A_104 = arith.constant 0 : i32
    %dma_wait3A_105 = arith.constant 0 : i32
    %dma_wait3A_106 = tpu.memref_slice %arg10[%dma_wait3A_104, %dma_wait3A_105] : memref<10240x128xf32, #tpu.memory_space<vmem_shared>> -> memref<128x128xf32, #tpu.memory_space<vmem_shared>>
    %dma_wait3A_107 = arith.constant 0 : i32
    %dma_wait3A_108 = arith.constant 0 : i32
    %dma_wait3A_109 = tpu.memref_slice %arg10[%dma_wait3A_107, %dma_wait3A_108] : memref<10240x128xf32, #tpu.memory_space<vmem_shared>> -> memref<128x128xf32, #tpu.memory_space<vmem_shared>>
    %dma_wait3A_110 = arith.constant 0 : i32
    %dma_wait3A_111 = arith.constant 0 : i32
    %dma_wait3A_112 = tpu.memref_slice %arg9[%dma_wait3A, %dma_wait3A_110, %dma_wait3A_111] : memref<2x128x128xf32, #tpu.memory_space<vmem>> -> memref<1x128x128xf32, #tpu.memory_space<vmem>>
    %dma_wait3A_113 = tpu.memref_squeeze %dma_wait3A_112 : memref<1x128x128xf32, #tpu.memory_space<vmem>> -> memref<128x128xf32, #tpu.memory_space<vmem>>
    tpu.wait_dma2 semaphore(%arg13 : memref<!tpu.dma_semaphore, #tpu.memory_space<semaphore_mem>>) src(%dma_wait3A_113 : memref<128x128xf32, #tpu.memory_space<vmem>>) dst(%dma_wait3A_109 : memref<128x128xf32, #tpu.memory_space<vmem_shared>>)
    %dma_wait3A_114 = arith.constant 0 : i32
    %dma_wait3A_115 = arith.constant 0 : i32
    %dma_wait3A_116 = arith.constant 0 : i32
    %dma_wait3A_117 = tpu.memref_slice %arg9[%dma_wait3A_114, %dma_wait3A_115, %dma_wait3A_116] : memref<2x128x128xf32, #tpu.memory_space<vmem>> -> memref<1x128x128xf32, #tpu.memory_space<vmem>>
    %dma_wait3A_118 = tpu.memref_squeeze %dma_wait3A_117 : memref<1x128x128xf32, #tpu.memory_space<vmem>> -> memref<128x128xf32, #tpu.memory_space<vmem>>
    %dma_wait3A_119 = arith.constant 0 : i32
    %dma_wait3A_120 = arith.constant 0 : i32
    %dma_wait3A_121 = tpu.memref_slice %arg10[%dma_wait3A_119, %dma_wait3A_120] : memref<10240x128xf32, #tpu.memory_space<vmem_shared>> -> memref<128x128xf32, #tpu.memory_space<vmem_shared>>
    %dma_wait3A_122 = arith.constant 0 : i32
    %dma_wait3A_123 = arith.constant 0 : i32
    %dma_wait3A_124 = tpu.memref_slice %arg10[%dma_wait3A_122, %dma_wait3A_123] : memref<10240x128xf32, #tpu.memory_space<vmem_shared>> -> memref<128x128xf32, #tpu.memory_space<vmem_shared>>
    %dma_wait3A_125 = arith.constant 0 : i32
    %dma_wait3A_126 = arith.constant 0 : i32
    %dma_wait3A_127 = tpu.memref_slice %arg9[%dma_wait3A_114, %dma_wait3A_125, %dma_wait3A_126] : memref<2x128x128xf32, #tpu.memory_space<vmem>> -> memref<1x128x128xf32, #tpu.memory_space<vmem>>
    %dma_wait3A_128 = tpu.memref_squeeze %dma_wait3A_127 : memref<1x128x128xf32, #tpu.memory_space<vmem>> -> memref<128x128xf32, #tpu.memory_space<vmem>>
    tpu.wait_dma2 semaphore(%arg13 : memref<!tpu.dma_semaphore, #tpu.memory_space<semaphore_mem>>) src(%dma_wait3A_128 : memref<128x128xf32, #tpu.memory_space<vmem>>) dst(%dma_wait3A_124 : memref<128x128xf32, #tpu.memory_space<vmem_shared>>)
    %dma_wait3A_129 = arith.constant 0 : i32
    %dma_wait3A_130 = arith.constant 0 : i32
    %dma_wait3A_131 = arith.constant 0 : i32
    %dma_wait3A_132 = tpu.memref_slice %arg9[%dma_wait3A_129, %dma_wait3A_130, %dma_wait3A_131] : memref<2x128x128xf32, #tpu.memory_space<vmem>> -> memref<1x128x128xf32, #tpu.memory_space<vmem>>
    %dma_wait3A_133 = tpu.memref_squeeze %dma_wait3A_132 : memref<1x128x128xf32, #tpu.memory_space<vmem>> -> memref<128x128xf32, #tpu.memory_space<vmem>>
    %dma_wait3A_134 = arith.constant 0 : i32
    %dma_wait3A_135 = arith.constant 0 : i32
    %dma_wait3A_136 = tpu.memref_slice %arg10[%dma_wait3A_134, %dma_wait3A_135] : memref<10240x128xf32, #tpu.memory_space<vmem_shared>> -> memref<128x128xf32, #tpu.memory_space<vmem_shared>>
    %dma_wait3A_137 = arith.constant 0 : i32
    %dma_wait3A_138 = arith.constant 0 : i32
    %dma_wait3A_139 = tpu.memref_slice %arg10[%dma_wait3A_137, %dma_wait3A_138] : memref<10240x128xf32, #tpu.memory_space<vmem_shared>> -> memref<128x128xf32, #tpu.memory_space<vmem_shared>>
    %dma_wait3A_140 = arith.constant 0 : i32
    %dma_wait3A_141 = arith.constant 0 : i32
    %dma_wait3A_142 = tpu.memref_slice %arg9[%dma_wait3A_129, %dma_wait3A_140, %dma_wait3A_141] : memref<2x128x128xf32, #tpu.memory_space<vmem>> -> memref<1x128x128xf32, #tpu.memory_space<vmem>>
    %dma_wait3A_143 = tpu.memref_squeeze %dma_wait3A_142 : memref<1x128x128xf32, #tpu.memory_space<vmem>> -> memref<128x128xf32, #tpu.memory_space<vmem>>
    tpu.wait_dma2 semaphore(%arg13 : memref<!tpu.dma_semaphore, #tpu.memory_space<semaphore_mem>>) src(%dma_wait3A_143 : memref<128x128xf32, #tpu.memory_space<vmem>>) dst(%dma_wait3A_139 : memref<128x128xf32, #tpu.memory_space<vmem_shared>>)
    %dma_wait3A_144 = arith.constant 0 : i32
    %dma_wait3A_145 = arith.constant 0 : i32
    %dma_wait3A_146 = arith.constant 0 : i32
    %dma_wait3A_147 = tpu.memref_slice %arg9[%dma_wait3A_144, %dma_wait3A_145, %dma_wait3A_146] : memref<2x128x128xf32, #tpu.memory_space<vmem>> -> memref<1x128x128xf32, #tpu.memory_space<vmem>>
    %dma_wait3A_148 = tpu.memref_squeeze %dma_wait3A_147 : memref<1x128x128xf32, #tpu.memory_space<vmem>> -> memref<128x128xf32, #tpu.memory_space<vmem>>
    %dma_wait3A_149 = arith.constant 0 : i32
    %dma_wait3A_150 = arith.constant 0 : i32
    %dma_wait3A_151 = tpu.memref_slice %arg10[%dma_wait3A_149, %dma_wait3A_150] : memref<10240x128xf32, #tpu.memory_space<vmem_shared>> -> memref<128x128xf32, #tpu.memory_space<vmem_shared>>
    %dma_wait3A_152 = arith.constant 0 : i32
    %dma_wait3A_153 = arith.constant 0 : i32
    %dma_wait3A_154 = tpu.memref_slice %arg10[%dma_wait3A_152, %dma_wait3A_153] : memref<10240x128xf32, #tpu.memory_space<vmem_shared>> -> memref<128x128xf32, #tpu.memory_space<vmem_shared>>
    %dma_wait3A_155 = arith.constant 0 : i32
    %dma_wait3A_156 = arith.constant 0 : i32
    %dma_wait3A_157 = tpu.memref_slice %arg9[%dma_wait3A_144, %dma_wait3A_155, %dma_wait3A_156] : memref<2x128x128xf32, #tpu.memory_space<vmem>> -> memref<1x128x128xf32, #tpu.memory_space<vmem>>
    %dma_wait3A_158 = tpu.memref_squeeze %dma_wait3A_157 : memref<1x128x128xf32, #tpu.memory_space<vmem>> -> memref<128x128xf32, #tpu.memory_space<vmem>>
    tpu.wait_dma2 semaphore(%arg13 : memref<!tpu.dma_semaphore, #tpu.memory_space<semaphore_mem>>) src(%dma_wait3A_158 : memref<128x128xf32, #tpu.memory_space<vmem>>) dst(%dma_wait3A_154 : memref<128x128xf32, #tpu.memory_space<vmem_shared>>)
    %dma_wait3A_159 = arith.constant 0 : i32
    %dma_wait3A_160 = arith.constant 0 : i32
    %dma_wait3A_161 = arith.constant 0 : i32
    %dma_wait3A_162 = tpu.memref_slice %arg9[%dma_wait3A_159, %dma_wait3A_160, %dma_wait3A_161] : memref<2x128x128xf32, #tpu.memory_space<vmem>> -> memref<1x128x128xf32, #tpu.memory_space<vmem>>
    %dma_wait3A_163 = tpu.memref_squeeze %dma_wait3A_162 : memref<1x128x128xf32, #tpu.memory_space<vmem>> -> memref<128x128xf32, #tpu.memory_space<vmem>>
    %dma_wait3A_164 = arith.constant 0 : i32
    %dma_wait3A_165 = arith.constant 0 : i32
    %dma_wait3A_166 = tpu.memref_slice %arg10[%dma_wait3A_164, %dma_wait3A_165] : memref<10240x128xf32, #tpu.memory_space<vmem_shared>> -> memref<128x128xf32, #tpu.memory_space<vmem_shared>>
    %dma_wait3A_167 = arith.constant 0 : i32
    %dma_wait3A_168 = arith.constant 0 : i32
    %dma_wait3A_169 = tpu.memref_slice %arg10[%dma_wait3A_167, %dma_wait3A_168] : memref<10240x128xf32, #tpu.memory_space<vmem_shared>> -> memref<128x128xf32, #tpu.memory_space<vmem_shared>>
    %dma_wait3A_170 = arith.constant 0 : i32
    %dma_wait3A_171 = arith.constant 0 : i32
    %dma_wait3A_172 = tpu.memref_slice %arg9[%dma_wait3A_159, %dma_wait3A_170, %dma_wait3A_171] : memref<2x128x128xf32, #tpu.memory_space<vmem>> -> memref<1x128x128xf32, #tpu.memory_space<vmem>>
    %dma_wait3A_173 = tpu.memref_squeeze %dma_wait3A_172 : memref<1x128x128xf32, #tpu.memory_space<vmem>> -> memref<128x128xf32, #tpu.memory_space<vmem>>
    tpu.wait_dma2 semaphore(%arg13 : memref<!tpu.dma_semaphore, #tpu.memory_space<semaphore_mem>>) src(%dma_wait3A_173 : memref<128x128xf32, #tpu.memory_space<vmem>>) dst(%dma_wait3A_169 : memref<128x128xf32, #tpu.memory_space<vmem_shared>>)
    %barrier3A = arith.constant 0 : index
    tpu.barrier barrier_id(%barrier3A)
    %gt3A = arith.constant 0 : i32
    %gt3A_174 = arith.cmpi sgt, %select_n3A_10, %gt3A : i32
    %convert_element_type3A = arith.extui %gt3A_174 : i1 to i32
    %cond3A = arith.constant 0 : i32
    %cond3A_175 = arith.cmpi ne, %convert_element_type3A, %cond3A : i32
    scf.if %cond3A_175 {
      %dma_start3A_280 = arith.constant 0 : i32
      %dma_start3A_281 = arith.constant 0 : i32
      %dma_start3A_282 = arith.constant 0 : i32
      %dma_start3A_283 = arith.constant 0 : i32
      %dma_start3A_284 = arith.constant 0 : i32
      %dma_start3A_285 = arith.constant 0 : i32
      %dma_start3A_286 = tpu.memref_slice %arg9[%dma_start3A_282, %dma_start3A_284, %dma_start3A_285] : memref<2x128x128xf32, #tpu.memory_space<vmem>> -> memref<1x128x128xf32, #tpu.memory_space<vmem>>
      %dma_start3A_287 = tpu.memref_squeeze %dma_start3A_286 : memref<1x128x128xf32, #tpu.memory_space<vmem>> -> memref<128x128xf32, #tpu.memory_space<vmem>>
      %dma_start3A_288 = arith.constant 0 : i32
      %dma_start3A_289 = tpu.memref_slice %arg7[%dma_start3A_280, %dma_start3A_281, %dma_start3A_288] : memref<2x8x128xi32, #tpu.memory_space<vmem>> -> memref<1x1x128xi32, #tpu.memory_space<vmem>>
      %dma_start3A_290 = tpu.memref_squeeze %dma_start3A_289 : memref<1x1x128xi32, #tpu.memory_space<vmem>> -> memref<128xi32, #tpu.memory_space<vmem>>
      %dma_start3A_291 = arith.constant 0 : i32
      %dma_start3A_292 = arith.constant 0 : i32
      %dma_start3A_293 = tpu.memref_slice %arg2[%dma_start3A_291, %dma_start3A_292] : memref<10240x128xf32, #tpu.memory_space<hbm>> -> memref<10240x128xf32, #tpu.memory_space<hbm>>
      %dma_start3A_294 = tpu.memref_slice %arg11[%dma_start3A_283] : memref<2x!tpu.dma_semaphore, #tpu.memory_space<semaphore_mem>> -> memref<1x!tpu.dma_semaphore, #tpu.memory_space<semaphore_mem>>
      %dma_start3A_295 = tpu.memref_squeeze %dma_start3A_294 : memref<1x!tpu.dma_semaphore, #tpu.memory_space<semaphore_mem>> -> memref<!tpu.dma_semaphore, #tpu.memory_space<semaphore_mem>>
      tpu.enqueue_indirect_dma source(%dma_start3A_293 : memref<10240x128xf32, #tpu.memory_space<hbm>>) target(%dma_start3A_287 : memref<128x128xf32, #tpu.memory_space<vmem>>) offsets(%dma_start3A_290 : memref<128xi32, #tpu.memory_space<vmem>>) semaphore(%dma_start3A_295 : memref<!tpu.dma_semaphore, #tpu.memory_space<semaphore_mem>>)
    } else {
    }
    %while3A = arith.constant 0 : i32
    %while3A_176 = arith.subi %select_n3A_10, %while3A : i32
    %while3A_177 = arith.addi %while3A, %while3A_176 : i32
    %while3A_178 = arith.constant 1 : i32
    %while3A_179 = arith.divsi %while3A_176, %while3A_178 : i32
    %while3A_180 = arith.muli %while3A_179, %while3A_178 : i32
    %while3A_181 = arith.addi %while3A, %while3A_180 : i32
    %while3A_182 = arith.constant 1 : i32
    scf.for %while3A_280 = %while3A to %while3A_181 step %while3A_182  : i32 {
      %jit3A_281 = arith.constant 2 : i32
      %eq3A_282 = arith.constant 0 : i32
      %eq3A_283 = arith.cmpi eq, %jit3A_281, %eq3A_282 : i32
      %jit3A_284 = arith.constant 1 : i32
      %select_n3A_285 = arith.select %eq3A_283, %jit3A_284, %jit3A_281 : i32
      %rem3A = arith.remsi %while3A_280, %select_n3A_285 : i32
      %ne3A = arith.constant 0 : i32
      %ne3A_286 = arith.cmpi ne, %rem3A, %ne3A : i32
      %lt3A = arith.constant 0 : i32
      %lt3A_287 = arith.cmpi slt, %rem3A, %lt3A : i32
      %lt3A_288 = arith.constant 0 : i32
      %lt3A_289 = arith.cmpi slt, %select_n3A_285, %lt3A_288 : i32
      %ne3A_290 = arith.xori %lt3A_287, %lt3A_289 : i1
      %and3A = arith.andi %ne3A_290, %ne3A_286 : i1
      %add3A_291 = arith.addi %rem3A, %select_n3A_285 : i32
      %select_n3A_292 = arith.select %and3A, %add3A_291, %rem3A : i32
      %add3A_293 = arith.constant 1 : i32
      %add3A_294 = arith.addi %while3A_280, %add3A_293 : i32
      %jit3A_295 = arith.constant 2 : i32
      %eq3A_296 = arith.constant 0 : i32
      %eq3A_297 = arith.cmpi eq, %jit3A_295, %eq3A_296 : i32
      %jit3A_298 = arith.constant 1 : i32
      %select_n3A_299 = arith.select %eq3A_297, %jit3A_298, %jit3A_295 : i32
      %rem3A_300 = arith.remsi %add3A_294, %select_n3A_299 : i32
      %ne3A_301 = arith.constant 0 : i32
      %ne3A_302 = arith.cmpi ne, %rem3A_300, %ne3A_301 : i32
      %lt3A_303 = arith.constant 0 : i32
      %lt3A_304 = arith.cmpi slt, %rem3A_300, %lt3A_303 : i32
      %lt3A_305 = arith.constant 0 : i32
      %lt3A_306 = arith.cmpi slt, %select_n3A_299, %lt3A_305 : i32
      %ne3A_307 = arith.xori %lt3A_304, %lt3A_306 : i1
      %and3A_308 = arith.andi %ne3A_307, %ne3A_302 : i1
      %add3A_309 = arith.addi %rem3A_300, %select_n3A_299 : i32
      %select_n3A_310 = arith.select %and3A_308, %add3A_309, %rem3A_300 : i32
      %jit3A_311 = arith.constant 8 : i32
      %div3A = arith.divsi %while3A_280, %jit3A_311 : i32
      %sign3A = arith.constant 0 : i32
      %sign3A_312 = arith.cmpi sgt, %while3A_280, %sign3A : i32
      %sign3A_313 = arith.extui %sign3A_312 : i1 to i32
      %sign3A_314 = arith.constant 0 : i32
      %sign3A_315 = arith.cmpi slt, %while3A_280, %sign3A_314 : i32
      %sign3A_316 = arith.extui %sign3A_315 : i1 to i32
      %sign3A_317 = arith.subi %sign3A_313, %sign3A_316 : i32
      %sign3A_318 = arith.constant 0 : i32
      %sign3A_319 = arith.cmpi sgt, %jit3A_311, %sign3A_318 : i32
      %sign3A_320 = arith.extui %sign3A_319 : i1 to i32
      %sign3A_321 = arith.constant 0 : i32
      %sign3A_322 = arith.cmpi slt, %jit3A_311, %sign3A_321 : i32
      %sign3A_323 = arith.extui %sign3A_322 : i1 to i32
      %sign3A_324 = arith.subi %sign3A_320, %sign3A_323 : i32
      %ne3A_325 = arith.cmpi ne, %sign3A_317, %sign3A_324 : i32
      %rem3A_326 = arith.remsi %while3A_280, %jit3A_311 : i32
      %ne3A_327 = arith.constant 0 : i32
      %ne3A_328 = arith.cmpi ne, %rem3A_326, %ne3A_327 : i32
      %and3A_329 = arith.andi %ne3A_325, %ne3A_328 : i1
      %sub3A_330 = arith.constant 1 : i32
      %sub3A_331 = arith.subi %div3A, %sub3A_330 : i32
      %select_n3A_332 = arith.select %and3A_329, %sub3A_331, %div3A : i32
      %jit3A_333 = arith.constant 8 : i32
      %eq3A_334 = arith.constant 0 : i32
      %eq3A_335 = arith.cmpi eq, %jit3A_333, %eq3A_334 : i32
      %jit3A_336 = arith.constant 1 : i32
      %select_n3A_337 = arith.select %eq3A_335, %jit3A_336, %jit3A_333 : i32
      %rem3A_338 = arith.remsi %while3A_280, %select_n3A_337 : i32
      %ne3A_339 = arith.constant 0 : i32
      %ne3A_340 = arith.cmpi ne, %rem3A_338, %ne3A_339 : i32
      %lt3A_341 = arith.constant 0 : i32
      %lt3A_342 = arith.cmpi slt, %rem3A_338, %lt3A_341 : i32
      %lt3A_343 = arith.constant 0 : i32
      %lt3A_344 = arith.cmpi slt, %select_n3A_337, %lt3A_343 : i32
      %ne3A_345 = arith.xori %lt3A_342, %lt3A_344 : i1
      %and3A_346 = arith.andi %ne3A_345, %ne3A_340 : i1
      %add3A_347 = arith.addi %rem3A_338, %select_n3A_337 : i32
      %select_n3A_348 = arith.select %and3A_346, %add3A_347, %rem3A_338 : i32
      %ge3A = arith.constant 1 : i32
      %ge3A_349 = arith.cmpi sge, %while3A_280, %ge3A : i32
      %convert_element_type3A_350 = arith.extui %ge3A_349 : i1 to i32
      %cond3A_351 = arith.constant 0 : i32
      %cond3A_352 = arith.cmpi ne, %convert_element_type3A_350, %cond3A_351 : i32
      scf.if %cond3A_352 {
        %dma_wait3A_434 = arith.constant 0 : i32
        %dma_wait3A_435 = arith.constant 0 : i32
        %dma_wait3A_436 = arith.constant 0 : i32
        %dma_wait3A_437 = tpu.memref_slice %arg9[%dma_wait3A_434, %dma_wait3A_435, %dma_wait3A_436] : memref<2x128x128xf32, #tpu.memory_space<vmem>> -> memref<1x128x128xf32, #tpu.memory_space<vmem>>
        %dma_wait3A_438 = tpu.memref_squeeze %dma_wait3A_437 : memref<1x128x128xf32, #tpu.memory_space<vmem>> -> memref<128x128xf32, #tpu.memory_space<vmem>>
        %dma_wait3A_439 = arith.constant 0 : i32
        %dma_wait3A_440 = arith.constant 0 : i32
        %dma_wait3A_441 = tpu.memref_slice %arg10[%dma_wait3A_439, %dma_wait3A_440] : memref<10240x128xf32, #tpu.memory_space<vmem_shared>> -> memref<128x128xf32, #tpu.memory_space<vmem_shared>>
        %dma_wait3A_442 = tpu.memref_slice %arg12[%select_n3A_310] : memref<2x!tpu.dma_semaphore, #tpu.memory_space<semaphore_mem>> -> memref<1x!tpu.dma_semaphore, #tpu.memory_space<semaphore_mem>>
        %dma_wait3A_443 = tpu.memref_squeeze %dma_wait3A_442 : memref<1x!tpu.dma_semaphore, #tpu.memory_space<semaphore_mem>> -> memref<!tpu.dma_semaphore, #tpu.memory_space<semaphore_mem>>
        %dma_wait3A_444 = arith.constant 0 : i32
        %dma_wait3A_445 = arith.constant 0 : i32
        %dma_wait3A_446 = tpu.memref_slice %arg10[%dma_wait3A_444, %dma_wait3A_445] : memref<10240x128xf32, #tpu.memory_space<vmem_shared>> -> memref<128x128xf32, #tpu.memory_space<vmem_shared>>
        %dma_wait3A_447 = arith.constant 0 : i32
        %dma_wait3A_448 = arith.constant 0 : i32
        %dma_wait3A_449 = tpu.memref_slice %arg9[%dma_wait3A_434, %dma_wait3A_447, %dma_wait3A_448] : memref<2x128x128xf32, #tpu.memory_space<vmem>> -> memref<1x128x128xf32, #tpu.memory_space<vmem>>
        %dma_wait3A_450 = tpu.memref_squeeze %dma_wait3A_449 : memref<1x128x128xf32, #tpu.memory_space<vmem>> -> memref<128x128xf32, #tpu.memory_space<vmem>>
        tpu.wait_dma2 semaphore(%dma_wait3A_443 : memref<!tpu.dma_semaphore, #tpu.memory_space<semaphore_mem>>) src(%dma_wait3A_450 : memref<128x128xf32, #tpu.memory_space<vmem>>) dst(%dma_wait3A_446 : memref<128x128xf32, #tpu.memory_space<vmem_shared>>)
      } else {
      }
      %add3A_353 = arith.constant 1 : i32
      %add3A_354 = arith.addi %select_n3A_332, %add3A_353 : i32
      %mul3A_355 = arith.constant 8 : i32
      %mul3A_356 = arith.muli %add3A_354, %mul3A_355 : i32
      %add3A_357 = arith.addi %select_n3A, %mul3A_356 : i32
      %eq3A_358 = arith.constant 1 : i32
      %eq3A_359 = arith.cmpi eq, %select_n3A_348, %eq3A_358 : i32
      %add3A_360 = arith.constant 1 : i32
      %add3A_361 = arith.addi %select_n3A_332, %add3A_360 : i32
      %mul3A_362 = arith.constant 8 : i32
      %mul3A_363 = arith.muli %add3A_361, %mul3A_362 : i32
      %lt3A_364 = arith.cmpi slt, %mul3A_363, %select_n3A_10 : i32
      %and3A_365 = arith.andi %eq3A_359, %lt3A_364 : i1
      %lt3A_366 = arith.constant 2496 : i32
      %lt3A_367 = arith.cmpi slt, %add3A_357, %lt3A_366 : i32
      %and3A_368 = arith.andi %and3A_365, %lt3A_367 : i1
      %convert_element_type3A_369 = arith.extui %and3A_368 : i1 to i32
      %cond3A_370 = arith.constant 0 : i32
      %cond3A_371 = arith.cmpi ne, %convert_element_type3A_369, %cond3A_370 : i32
      scf.if %cond3A_371 {
        %add3A_434 = arith.constant 1 : i32
        %add3A_435 = arith.addi %select_n3A_332, %add3A_434 : i32
        %jit3A_436 = arith.constant 2 : i32
        %eq3A_437 = arith.constant 0 : i32
        %eq3A_438 = arith.cmpi eq, %jit3A_436, %eq3A_437 : i32
        %jit3A_439 = arith.constant 1 : i32
        %select_n3A_440 = arith.select %eq3A_438, %jit3A_439, %jit3A_436 : i32
        %rem3A_441 = arith.remsi %add3A_435, %select_n3A_440 : i32
        %ne3A_442 = arith.constant 0 : i32
        %ne3A_443 = arith.cmpi ne, %rem3A_441, %ne3A_442 : i32
        %lt3A_444 = arith.constant 0 : i32
        %lt3A_445 = arith.cmpi slt, %rem3A_441, %lt3A_444 : i32
        %lt3A_446 = arith.constant 0 : i32
        %lt3A_447 = arith.cmpi slt, %select_n3A_440, %lt3A_446 : i32
        %ne3A_448 = arith.xori %lt3A_445, %lt3A_447 : i1
        %and3A_449 = arith.andi %ne3A_448, %ne3A_443 : i1
        %add3A_450 = arith.addi %rem3A_441, %select_n3A_440 : i32
        %select_n3A_451 = arith.select %and3A_449, %add3A_450, %rem3A_441 : i32
        %dma_start3A_452 = arith.constant 0 : i32
        %dma_start3A_453 = arith.constant 0 : i32
        %dma_start3A_454 = tpu.memref_slice %arg7[%select_n3A_451, %dma_start3A_452, %dma_start3A_453] : memref<2x8x128xi32, #tpu.memory_space<vmem>> -> memref<1x8x128xi32, #tpu.memory_space<vmem>>
        %dma_start3A_455 = tpu.memref_squeeze %dma_start3A_454 : memref<1x8x128xi32, #tpu.memory_space<vmem>> -> memref<8x128xi32, #tpu.memory_space<vmem>>
        %dma_start3A_456 = arith.constant 0 : i32
        %dma_start3A_457 = tpu.memref_slice %arg3[%add3A_357, %dma_start3A_456] : memref<2500x128xi32, #tpu.memory_space<hbm>> -> memref<8x128xi32, #tpu.memory_space<hbm>>
        %dma_start3A_458 = arith.constant 0 : i32
        %dma_start3A_459 = arith.constant 0 : i32
        %dma_start3A_460 = tpu.memref_slice %arg7[%select_n3A_451, %dma_start3A_458, %dma_start3A_459] : memref<2x8x128xi32, #tpu.memory_space<vmem>> -> memref<1x8x128xi32, #tpu.memory_space<vmem>>
        %dma_start3A_461 = tpu.memref_squeeze %dma_start3A_460 : memref<1x8x128xi32, #tpu.memory_space<vmem>> -> memref<8x128xi32, #tpu.memory_space<vmem>>
        %dma_start3A_462 = arith.constant 0 : i32
        %dma_start3A_463 = tpu.memref_slice %arg3[%add3A_357, %dma_start3A_462] : memref<2500x128xi32, #tpu.memory_space<hbm>> -> memref<8x128xi32, #tpu.memory_space<hbm>>
        tpu.enqueue_dma source(%dma_start3A_463 : memref<8x128xi32, #tpu.memory_space<hbm>>) target(%dma_start3A_461 : memref<8x128xi32, #tpu.memory_space<vmem>>) target_semaphore(%arg13 : memref<!tpu.dma_semaphore, #tpu.memory_space<semaphore_mem>>)
        %add3A_464 = arith.constant 1 : i32
        %add3A_465 = arith.addi %select_n3A_332, %add3A_464 : i32
        %jit3A_466 = arith.constant 2 : i32
        %eq3A_467 = arith.constant 0 : i32
        %eq3A_468 = arith.cmpi eq, %jit3A_466, %eq3A_467 : i32
        %jit3A_469 = arith.constant 1 : i32
        %select_n3A_470 = arith.select %eq3A_468, %jit3A_469, %jit3A_466 : i32
        %rem3A_471 = arith.remsi %add3A_465, %select_n3A_470 : i32
        %ne3A_472 = arith.constant 0 : i32
        %ne3A_473 = arith.cmpi ne, %rem3A_471, %ne3A_472 : i32
        %lt3A_474 = arith.constant 0 : i32
        %lt3A_475 = arith.cmpi slt, %rem3A_471, %lt3A_474 : i32
        %lt3A_476 = arith.constant 0 : i32
        %lt3A_477 = arith.cmpi slt, %select_n3A_470, %lt3A_476 : i32
        %ne3A_478 = arith.xori %lt3A_475, %lt3A_477 : i1
        %and3A_479 = arith.andi %ne3A_478, %ne3A_473 : i1
        %add3A_480 = arith.addi %rem3A_471, %select_n3A_470 : i32
        %select_n3A_481 = arith.select %and3A_479, %add3A_480, %rem3A_471 : i32
        %dma_start3A_482 = arith.constant 0 : i32
        %dma_start3A_483 = arith.constant 0 : i32
        %dma_start3A_484 = tpu.memref_slice %arg8[%select_n3A_481, %dma_start3A_482, %dma_start3A_483] : memref<2x8x128xi32, #tpu.memory_space<vmem>> -> memref<1x8x128xi32, #tpu.memory_space<vmem>>
        %dma_start3A_485 = tpu.memref_squeeze %dma_start3A_484 : memref<1x8x128xi32, #tpu.memory_space<vmem>> -> memref<8x128xi32, #tpu.memory_space<vmem>>
        %dma_start3A_486 = arith.constant 0 : i32
        %dma_start3A_487 = tpu.memref_slice %arg4[%add3A_357, %dma_start3A_486] : memref<2500x128xi32, #tpu.memory_space<hbm>> -> memref<8x128xi32, #tpu.memory_space<hbm>>
        %dma_start3A_488 = arith.constant 0 : i32
        %dma_start3A_489 = arith.constant 0 : i32
        %dma_start3A_490 = tpu.memref_slice %arg8[%select_n3A_481, %dma_start3A_488, %dma_start3A_489] : memref<2x8x128xi32, #tpu.memory_space<vmem>> -> memref<1x8x128xi32, #tpu.memory_space<vmem>>
        %dma_start3A_491 = tpu.memref_squeeze %dma_start3A_490 : memref<1x8x128xi32, #tpu.memory_space<vmem>> -> memref<8x128xi32, #tpu.memory_space<vmem>>
        %dma_start3A_492 = arith.constant 0 : i32
        %dma_start3A_493 = tpu.memref_slice %arg4[%add3A_357, %dma_start3A_492] : memref<2500x128xi32, #tpu.memory_space<hbm>> -> memref<8x128xi32, #tpu.memory_space<hbm>>
        tpu.enqueue_dma source(%dma_start3A_493 : memref<8x128xi32, #tpu.memory_space<hbm>>) target(%dma_start3A_491 : memref<8x128xi32, #tpu.memory_space<vmem>>) target_semaphore(%arg13 : memref<!tpu.dma_semaphore, #tpu.memory_space<semaphore_mem>>)
      } else {
      }
      %eq3A_372 = arith.constant 1 : i32
      %eq3A_373 = arith.cmpi eq, %select_n3A_348, %eq3A_372 : i32
      %add3A_374 = arith.constant 1 : i32
      %add3A_375 = arith.addi %select_n3A_332, %add3A_374 : i32
      %mul3A_376 = arith.constant 8 : i32
      %mul3A_377 = arith.muli %add3A_375, %mul3A_376 : i32
      %lt3A_378 = arith.cmpi slt, %mul3A_377, %select_n3A_10 : i32
      %and3A_379 = arith.andi %eq3A_373, %lt3A_378 : i1
      %ge3A_380 = arith.constant 2496 : i32
      %ge3A_381 = arith.cmpi sge, %add3A_357, %ge3A_380 : i32
      %and3A_382 = arith.andi %and3A_379, %ge3A_381 : i1
      %convert_element_type3A_383 = arith.extui %and3A_382 : i1 to i32
      %cond3A_384 = arith.constant 0 : i32
      %cond3A_385 = arith.cmpi ne, %convert_element_type3A_383, %cond3A_384 : i32
      scf.if %cond3A_385 {
        %add3A_434 = arith.constant 1 : i32
        %add3A_435 = arith.addi %select_n3A_332, %add3A_434 : i32
        %jit3A_436 = arith.constant 2 : i32
        %eq3A_437 = arith.constant 0 : i32
        %eq3A_438 = arith.cmpi eq, %jit3A_436, %eq3A_437 : i32
        %jit3A_439 = arith.constant 1 : i32
        %select_n3A_440 = arith.select %eq3A_438, %jit3A_439, %jit3A_436 : i32
        %rem3A_441 = arith.remsi %add3A_435, %select_n3A_440 : i32
        %ne3A_442 = arith.constant 0 : i32
        %ne3A_443 = arith.cmpi ne, %rem3A_441, %ne3A_442 : i32
        %lt3A_444 = arith.constant 0 : i32
        %lt3A_445 = arith.cmpi slt, %rem3A_441, %lt3A_444 : i32
        %lt3A_446 = arith.constant 0 : i32
        %lt3A_447 = arith.cmpi slt, %select_n3A_440, %lt3A_446 : i32
        %ne3A_448 = arith.xori %lt3A_445, %lt3A_447 : i1
        %and3A_449 = arith.andi %ne3A_448, %ne3A_443 : i1
        %add3A_450 = arith.addi %rem3A_441, %select_n3A_440 : i32
        %select_n3A_451 = arith.select %and3A_449, %add3A_450, %rem3A_441 : i32
        %dma_start3A_452 = arith.constant 0 : i32
        %dma_start3A_453 = arith.constant 0 : i32
        %dma_start3A_454 = arith.constant 0 : i32
        %dma_start3A_455 = tpu.memref_slice %arg7[%select_n3A_451, %dma_start3A_453, %dma_start3A_454] : memref<2x8x128xi32, #tpu.memory_space<vmem>> -> memref<1x8x128xi32, #tpu.memory_space<vmem>>
        %dma_start3A_456 = tpu.memref_squeeze %dma_start3A_455 : memref<1x8x128xi32, #tpu.memory_space<vmem>> -> memref<8x128xi32, #tpu.memory_space<vmem>>
        %dma_start3A_457 = arith.constant 0 : i32
        %dma_start3A_458 = arith.constant 0 : i32
        %dma_start3A_459 = tpu.memref_slice %arg5[%dma_start3A_452, %dma_start3A_457, %dma_start3A_458] : memref<2x8x128xi32, #tpu.memory_space<hbm>> -> memref<1x8x128xi32, #tpu.memory_space<hbm>>
        %dma_start3A_460 = tpu.memref_squeeze %dma_start3A_459 : memref<1x8x128xi32, #tpu.memory_space<hbm>> -> memref<8x128xi32, #tpu.memory_space<hbm>>
        %dma_start3A_461 = arith.constant 0 : i32
        %dma_start3A_462 = arith.constant 0 : i32
        %dma_start3A_463 = tpu.memref_slice %arg7[%select_n3A_451, %dma_start3A_461, %dma_start3A_462] : memref<2x8x128xi32, #tpu.memory_space<vmem>> -> memref<1x8x128xi32, #tpu.memory_space<vmem>>
        %dma_start3A_464 = tpu.memref_squeeze %dma_start3A_463 : memref<1x8x128xi32, #tpu.memory_space<vmem>> -> memref<8x128xi32, #tpu.memory_space<vmem>>
        %dma_start3A_465 = arith.constant 0 : i32
        %dma_start3A_466 = arith.constant 0 : i32
        %dma_start3A_467 = tpu.memref_slice %arg5[%dma_start3A_452, %dma_start3A_465, %dma_start3A_466] : memref<2x8x128xi32, #tpu.memory_space<hbm>> -> memref<1x8x128xi32, #tpu.memory_space<hbm>>
        %dma_start3A_468 = tpu.memref_squeeze %dma_start3A_467 : memref<1x8x128xi32, #tpu.memory_space<hbm>> -> memref<8x128xi32, #tpu.memory_space<hbm>>
        tpu.enqueue_dma source(%dma_start3A_468 : memref<8x128xi32, #tpu.memory_space<hbm>>) target(%dma_start3A_464 : memref<8x128xi32, #tpu.memory_space<vmem>>) target_semaphore(%arg13 : memref<!tpu.dma_semaphore, #tpu.memory_space<semaphore_mem>>)
        %add3A_469 = arith.constant 1 : i32
        %add3A_470 = arith.addi %select_n3A_332, %add3A_469 : i32
        %jit3A_471 = arith.constant 2 : i32
        %eq3A_472 = arith.constant 0 : i32
        %eq3A_473 = arith.cmpi eq, %jit3A_471, %eq3A_472 : i32
        %jit3A_474 = arith.constant 1 : i32
        %select_n3A_475 = arith.select %eq3A_473, %jit3A_474, %jit3A_471 : i32
        %rem3A_476 = arith.remsi %add3A_470, %select_n3A_475 : i32
        %ne3A_477 = arith.constant 0 : i32
        %ne3A_478 = arith.cmpi ne, %rem3A_476, %ne3A_477 : i32
        %lt3A_479 = arith.constant 0 : i32
        %lt3A_480 = arith.cmpi slt, %rem3A_476, %lt3A_479 : i32
        %lt3A_481 = arith.constant 0 : i32
        %lt3A_482 = arith.cmpi slt, %select_n3A_475, %lt3A_481 : i32
        %ne3A_483 = arith.xori %lt3A_480, %lt3A_482 : i1
        %and3A_484 = arith.andi %ne3A_483, %ne3A_478 : i1
        %add3A_485 = arith.addi %rem3A_476, %select_n3A_475 : i32
        %select_n3A_486 = arith.select %and3A_484, %add3A_485, %rem3A_476 : i32
        %dma_start3A_487 = arith.constant 1 : i32
        %dma_start3A_488 = arith.constant 0 : i32
        %dma_start3A_489 = arith.constant 0 : i32
        %dma_start3A_490 = tpu.memref_slice %arg8[%select_n3A_486, %dma_start3A_488, %dma_start3A_489] : memref<2x8x128xi32, #tpu.memory_space<vmem>> -> memref<1x8x128xi32, #tpu.memory_space<vmem>>
        %dma_start3A_491 = tpu.memref_squeeze %dma_start3A_490 : memref<1x8x128xi32, #tpu.memory_space<vmem>> -> memref<8x128xi32, #tpu.memory_space<vmem>>
        %dma_start3A_492 = arith.constant 0 : i32
        %dma_start3A_493 = arith.constant 0 : i32
        %dma_start3A_494 = tpu.memref_slice %arg5[%dma_start3A_487, %dma_start3A_492, %dma_start3A_493] : memref<2x8x128xi32, #tpu.memory_space<hbm>> -> memref<1x8x128xi32, #tpu.memory_space<hbm>>
        %dma_start3A_495 = tpu.memref_squeeze %dma_start3A_494 : memref<1x8x128xi32, #tpu.memory_space<hbm>> -> memref<8x128xi32, #tpu.memory_space<hbm>>
        %dma_start3A_496 = arith.constant 0 : i32
        %dma_start3A_497 = arith.constant 0 : i32
        %dma_start3A_498 = tpu.memref_slice %arg8[%select_n3A_486, %dma_start3A_496, %dma_start3A_497] : memref<2x8x128xi32, #tpu.memory_space<vmem>> -> memref<1x8x128xi32, #tpu.memory_space<vmem>>
        %dma_start3A_499 = tpu.memref_squeeze %dma_start3A_498 : memref<1x8x128xi32, #tpu.memory_space<vmem>> -> memref<8x128xi32, #tpu.memory_space<vmem>>
        %dma_start3A_500 = arith.constant 0 : i32
        %dma_start3A_501 = arith.constant 0 : i32
        %dma_start3A_502 = tpu.memref_slice %arg5[%dma_start3A_487, %dma_start3A_500, %dma_start3A_501] : memref<2x8x128xi32, #tpu.memory_space<hbm>> -> memref<1x8x128xi32, #tpu.memory_space<hbm>>
        %dma_start3A_503 = tpu.memref_squeeze %dma_start3A_502 : memref<1x8x128xi32, #tpu.memory_space<hbm>> -> memref<8x128xi32, #tpu.memory_space<hbm>>
        tpu.enqueue_dma source(%dma_start3A_503 : memref<8x128xi32, #tpu.memory_space<hbm>>) target(%dma_start3A_499 : memref<8x128xi32, #tpu.memory_space<vmem>>) target_semaphore(%arg13 : memref<!tpu.dma_semaphore, #tpu.memory_space<semaphore_mem>>)
      } else {
      }
      %add3A_386 = arith.constant 1 : i32
      %add3A_387 = arith.addi %while3A_280, %add3A_386 : i32
      %lt3A_388 = arith.cmpi slt, %add3A_387, %select_n3A_10 : i32
      %convert_element_type3A_389 = arith.extui %lt3A_388 : i1 to i32
      %cond3A_390 = arith.constant 0 : i32
      %cond3A_391 = arith.cmpi ne, %convert_element_type3A_389, %cond3A_390 : i32
      scf.if %cond3A_391 {
        %eq3A_434 = arith.constant 7 : i32
        %eq3A_435 = arith.cmpi eq, %select_n3A_348, %eq3A_434 : i32
        %convert_element_type3A_436 = arith.extui %eq3A_435 : i1 to i32
        %cond3A_437 = arith.constant 0 : i32
        %cond3A_438 = arith.cmpi ne, %convert_element_type3A_436, %cond3A_437 : i32
        scf.if %cond3A_438 {
          %dma_wait3A_511 = arith.constant 0 : i32
          %dma_wait3A_512 = arith.constant 0 : i32
          %dma_wait3A_513 = arith.constant 0 : i32
          %dma_wait3A_514 = tpu.memref_slice %arg7[%dma_wait3A_511, %dma_wait3A_512, %dma_wait3A_513] : memref<2x8x128xi32, #tpu.memory_space<vmem>> -> memref<1x8x128xi32, #tpu.memory_space<vmem>>
          %dma_wait3A_515 = tpu.memref_squeeze %dma_wait3A_514 : memref<1x8x128xi32, #tpu.memory_space<vmem>> -> memref<8x128xi32, #tpu.memory_space<vmem>>
          %dma_wait3A_516 = arith.constant 0 : i32
          %dma_wait3A_517 = tpu.memref_slice %arg3[%select_n3A, %dma_wait3A_516] : memref<2500x128xi32, #tpu.memory_space<hbm>> -> memref<8x128xi32, #tpu.memory_space<hbm>>
          %dma_wait3A_518 = arith.constant 0 : i32
          %dma_wait3A_519 = arith.constant 0 : i32
          %dma_wait3A_520 = tpu.memref_slice %arg7[%dma_wait3A_511, %dma_wait3A_518, %dma_wait3A_519] : memref<2x8x128xi32, #tpu.memory_space<vmem>> -> memref<1x8x128xi32, #tpu.memory_space<vmem>>
          %dma_wait3A_521 = tpu.memref_squeeze %dma_wait3A_520 : memref<1x8x128xi32, #tpu.memory_space<vmem>> -> memref<8x128xi32, #tpu.memory_space<vmem>>
          %dma_wait3A_522 = arith.constant 0 : i32
          %dma_wait3A_523 = tpu.memref_slice %arg3[%select_n3A, %dma_wait3A_522] : memref<2500x128xi32, #tpu.memory_space<hbm>> -> memref<8x128xi32, #tpu.memory_space<hbm>>
          tpu.wait_dma2 semaphore(%arg13 : memref<!tpu.dma_semaphore, #tpu.memory_space<semaphore_mem>>) src(%dma_wait3A_523 : memref<8x128xi32, #tpu.memory_space<hbm>>) dst(%dma_wait3A_521 : memref<8x128xi32, #tpu.memory_space<vmem>>)
          %dma_wait3A_524 = arith.constant 0 : i32
          %dma_wait3A_525 = arith.constant 0 : i32
          %dma_wait3A_526 = arith.constant 0 : i32
          %dma_wait3A_527 = tpu.memref_slice %arg7[%dma_wait3A_524, %dma_wait3A_525, %dma_wait3A_526] : memref<2x8x128xi32, #tpu.memory_space<vmem>> -> memref<1x8x128xi32, #tpu.memory_space<vmem>>
          %dma_wait3A_528 = tpu.memref_squeeze %dma_wait3A_527 : memref<1x8x128xi32, #tpu.memory_space<vmem>> -> memref<8x128xi32, #tpu.memory_space<vmem>>
          %dma_wait3A_529 = arith.constant 0 : i32
          %dma_wait3A_530 = tpu.memref_slice %arg3[%select_n3A, %dma_wait3A_529] : memref<2500x128xi32, #tpu.memory_space<hbm>> -> memref<8x128xi32, #tpu.memory_space<hbm>>
          %dma_wait3A_531 = arith.constant 0 : i32
          %dma_wait3A_532 = arith.constant 0 : i32
          %dma_wait3A_533 = tpu.memref_slice %arg7[%dma_wait3A_524, %dma_wait3A_531, %dma_wait3A_532] : memref<2x8x128xi32, #tpu.memory_space<vmem>> -> memref<1x8x128xi32, #tpu.memory_space<vmem>>
          %dma_wait3A_534 = tpu.memref_squeeze %dma_wait3A_533 : memref<1x8x128xi32, #tpu.memory_space<vmem>> -> memref<8x128xi32, #tpu.memory_space<vmem>>
          %dma_wait3A_535 = arith.constant 0 : i32
          %dma_wait3A_536 = tpu.memref_slice %arg3[%select_n3A, %dma_wait3A_535] : memref<2500x128xi32, #tpu.memory_space<hbm>> -> memref<8x128xi32, #tpu.memory_space<hbm>>
          tpu.wait_dma2 semaphore(%arg13 : memref<!tpu.dma_semaphore, #tpu.memory_space<semaphore_mem>>) src(%dma_wait3A_536 : memref<8x128xi32, #tpu.memory_space<hbm>>) dst(%dma_wait3A_534 : memref<8x128xi32, #tpu.memory_space<vmem>>)
        } else {
        }
        %add3A_439 = arith.constant 1 : i32
        %add3A_440 = arith.addi %while3A_280, %add3A_439 : i32
        %jit3A_441 = arith.constant 8 : i32
        %div3A_442 = arith.divsi %add3A_440, %jit3A_441 : i32
        %sign3A_443 = arith.constant 0 : i32
        %sign3A_444 = arith.cmpi sgt, %add3A_440, %sign3A_443 : i32
        %sign3A_445 = arith.extui %sign3A_444 : i1 to i32
        %sign3A_446 = arith.constant 0 : i32
        %sign3A_447 = arith.cmpi slt, %add3A_440, %sign3A_446 : i32
        %sign3A_448 = arith.extui %sign3A_447 : i1 to i32
        %sign3A_449 = arith.subi %sign3A_445, %sign3A_448 : i32
        %sign3A_450 = arith.constant 0 : i32
        %sign3A_451 = arith.cmpi sgt, %jit3A_441, %sign3A_450 : i32
        %sign3A_452 = arith.extui %sign3A_451 : i1 to i32
        %sign3A_453 = arith.constant 0 : i32
        %sign3A_454 = arith.cmpi slt, %jit3A_441, %sign3A_453 : i32
        %sign3A_455 = arith.extui %sign3A_454 : i1 to i32
        %sign3A_456 = arith.subi %sign3A_452, %sign3A_455 : i32
        %ne3A_457 = arith.cmpi ne, %sign3A_449, %sign3A_456 : i32
        %rem3A_458 = arith.remsi %add3A_440, %jit3A_441 : i32
        %ne3A_459 = arith.constant 0 : i32
        %ne3A_460 = arith.cmpi ne, %rem3A_458, %ne3A_459 : i32
        %and3A_461 = arith.andi %ne3A_457, %ne3A_460 : i1
        %sub3A_462 = arith.constant 1 : i32
        %sub3A_463 = arith.subi %div3A_442, %sub3A_462 : i32
        %select_n3A_464 = arith.select %and3A_461, %sub3A_463, %div3A_442 : i32
        %jit3A_465 = arith.constant 2 : i32
        %eq3A_466 = arith.constant 0 : i32
        %eq3A_467 = arith.cmpi eq, %jit3A_465, %eq3A_466 : i32
        %jit3A_468 = arith.constant 1 : i32
        %select_n3A_469 = arith.select %eq3A_467, %jit3A_468, %jit3A_465 : i32
        %rem3A_470 = arith.remsi %select_n3A_464, %select_n3A_469 : i32
        %ne3A_471 = arith.constant 0 : i32
        %ne3A_472 = arith.cmpi ne, %rem3A_470, %ne3A_471 : i32
        %lt3A_473 = arith.constant 0 : i32
        %lt3A_474 = arith.cmpi slt, %rem3A_470, %lt3A_473 : i32
        %lt3A_475 = arith.constant 0 : i32
        %lt3A_476 = arith.cmpi slt, %select_n3A_469, %lt3A_475 : i32
        %ne3A_477 = arith.xori %lt3A_474, %lt3A_476 : i1
        %and3A_478 = arith.andi %ne3A_477, %ne3A_472 : i1
        %add3A_479 = arith.addi %rem3A_470, %select_n3A_469 : i32
        %select_n3A_480 = arith.select %and3A_478, %add3A_479, %rem3A_470 : i32
        %add3A_481 = arith.constant 1 : i32
        %add3A_482 = arith.addi %while3A_280, %add3A_481 : i32
        %jit3A_483 = arith.constant 8 : i32
        %eq3A_484 = arith.constant 0 : i32
        %eq3A_485 = arith.cmpi eq, %jit3A_483, %eq3A_484 : i32
        %jit3A_486 = arith.constant 1 : i32
        %select_n3A_487 = arith.select %eq3A_485, %jit3A_486, %jit3A_483 : i32
        %rem3A_488 = arith.remsi %add3A_482, %select_n3A_487 : i32
        %ne3A_489 = arith.constant 0 : i32
        %ne3A_490 = arith.cmpi ne, %rem3A_488, %ne3A_489 : i32
        %lt3A_491 = arith.constant 0 : i32
        %lt3A_492 = arith.cmpi slt, %rem3A_488, %lt3A_491 : i32
        %lt3A_493 = arith.constant 0 : i32
        %lt3A_494 = arith.cmpi slt, %select_n3A_487, %lt3A_493 : i32
        %ne3A_495 = arith.xori %lt3A_492, %lt3A_494 : i1
        %and3A_496 = arith.andi %ne3A_495, %ne3A_490 : i1
        %add3A_497 = arith.addi %rem3A_488, %select_n3A_487 : i32
        %select_n3A_498 = arith.select %and3A_496, %add3A_497, %rem3A_488 : i32
        %dma_start3A_499 = arith.constant 0 : i32
        %dma_start3A_500 = arith.constant 0 : i32
        %dma_start3A_501 = tpu.memref_slice %arg9[%select_n3A_310, %dma_start3A_499, %dma_start3A_500] : memref<2x128x128xf32, #tpu.memory_space<vmem>> -> memref<1x128x128xf32, #tpu.memory_space<vmem>>
        %dma_start3A_502 = tpu.memref_squeeze %dma_start3A_501 : memref<1x128x128xf32, #tpu.memory_space<vmem>> -> memref<128x128xf32, #tpu.memory_space<vmem>>
        %dma_start3A_503 = arith.constant 0 : i32
        %dma_start3A_504 = tpu.memref_slice %arg7[%select_n3A_480, %select_n3A_498, %dma_start3A_503] : memref<2x8x128xi32, #tpu.memory_space<vmem>> -> memref<1x1x128xi32, #tpu.memory_space<vmem>>
        %dma_start3A_505 = tpu.memref_squeeze %dma_start3A_504 : memref<1x1x128xi32, #tpu.memory_space<vmem>> -> memref<128xi32, #tpu.memory_space<vmem>>
        %dma_start3A_506 = arith.constant 0 : i32
        %dma_start3A_507 = arith.constant 0 : i32
        %dma_start3A_508 = tpu.memref_slice %arg2[%dma_start3A_506, %dma_start3A_507] : memref<10240x128xf32, #tpu.memory_space<hbm>> -> memref<10240x128xf32, #tpu.memory_space<hbm>>
        %dma_start3A_509 = tpu.memref_slice %arg11[%select_n3A_310] : memref<2x!tpu.dma_semaphore, #tpu.memory_space<semaphore_mem>> -> memref<1x!tpu.dma_semaphore, #tpu.memory_space<semaphore_mem>>
        %dma_start3A_510 = tpu.memref_squeeze %dma_start3A_509 : memref<1x!tpu.dma_semaphore, #tpu.memory_space<semaphore_mem>> -> memref<!tpu.dma_semaphore, #tpu.memory_space<semaphore_mem>>
        tpu.enqueue_indirect_dma source(%dma_start3A_508 : memref<10240x128xf32, #tpu.memory_space<hbm>>) target(%dma_start3A_502 : memref<128x128xf32, #tpu.memory_space<vmem>>) offsets(%dma_start3A_505 : memref<128xi32, #tpu.memory_space<vmem>>) semaphore(%dma_start3A_510 : memref<!tpu.dma_semaphore, #tpu.memory_space<semaphore_mem>>)
      } else {
      }
      %dma_wait3A_392 = arith.constant 0 : i32
      %dma_wait3A_393 = arith.constant 0 : i32
      %dma_wait3A_394 = arith.constant 0 : i32
      %dma_wait3A_395 = arith.constant 0 : i32
      %dma_wait3A_396 = tpu.memref_slice %arg9[%select_n3A_292, %dma_wait3A_394, %dma_wait3A_395] : memref<2x128x128xf32, #tpu.memory_space<vmem>> -> memref<1x128x128xf32, #tpu.memory_space<vmem>>
      %dma_wait3A_397 = tpu.memref_squeeze %dma_wait3A_396 : memref<1x128x128xf32, #tpu.memory_space<vmem>> -> memref<128x128xf32, #tpu.memory_space<vmem>>
      %dma_wait3A_398 = arith.constant 0 : i32
      %dma_wait3A_399 = tpu.memref_slice %arg7[%dma_wait3A_392, %dma_wait3A_393, %dma_wait3A_398] : memref<2x8x128xi32, #tpu.memory_space<vmem>> -> memref<1x1x128xi32, #tpu.memory_space<vmem>>
      %dma_wait3A_400 = tpu.memref_squeeze %dma_wait3A_399 : memref<1x1x128xi32, #tpu.memory_space<vmem>> -> memref<128xi32, #tpu.memory_space<vmem>>
      %dma_wait3A_401 = arith.constant 0 : i32
      %dma_wait3A_402 = arith.constant 0 : i32
      %dma_wait3A_403 = tpu.memref_slice %arg2[%dma_wait3A_401, %dma_wait3A_402] : memref<10240x128xf32, #tpu.memory_space<hbm>> -> memref<10240x128xf32, #tpu.memory_space<hbm>>
      %dma_wait3A_404 = tpu.memref_slice %arg11[%select_n3A_292] : memref<2x!tpu.dma_semaphore, #tpu.memory_space<semaphore_mem>> -> memref<1x!tpu.dma_semaphore, #tpu.memory_space<semaphore_mem>>
      %dma_wait3A_405 = tpu.memref_squeeze %dma_wait3A_404 : memref<1x!tpu.dma_semaphore, #tpu.memory_space<semaphore_mem>> -> memref<!tpu.dma_semaphore, #tpu.memory_space<semaphore_mem>>
      tpu.wait_indirect_dma semaphore(%dma_wait3A_405 : memref<!tpu.dma_semaphore, #tpu.memory_space<semaphore_mem>>) src(%dma_wait3A_403 : memref<10240x128xf32, #tpu.memory_space<hbm>>) dst(%dma_wait3A_397 : memref<128x128xf32, #tpu.memory_space<vmem>>)
      %jit3A_406 = arith.constant 2 : i32
      %eq3A_407 = arith.constant 0 : i32
      %eq3A_408 = arith.cmpi eq, %jit3A_406, %eq3A_407 : i32
      %jit3A_409 = arith.constant 1 : i32
      %select_n3A_410 = arith.select %eq3A_408, %jit3A_409, %jit3A_406 : i32
      %rem3A_411 = arith.remsi %select_n3A_332, %select_n3A_410 : i32
      %ne3A_412 = arith.constant 0 : i32
      %ne3A_413 = arith.cmpi ne, %rem3A_411, %ne3A_412 : i32
      %lt3A_414 = arith.constant 0 : i32
      %lt3A_415 = arith.cmpi slt, %rem3A_411, %lt3A_414 : i32
      %lt3A_416 = arith.constant 0 : i32
      %lt3A_417 = arith.cmpi slt, %select_n3A_410, %lt3A_416 : i32
      %ne3A_418 = arith.xori %lt3A_415, %lt3A_417 : i1
      %and3A_419 = arith.andi %ne3A_418, %ne3A_413 : i1
      %add3A_420 = arith.addi %rem3A_411, %select_n3A_410 : i32
      %select_n3A_421 = arith.select %and3A_419, %add3A_420, %rem3A_411 : i32
      %dma_start3A_422 = arith.constant 0 : i32
      %dma_start3A_423 = arith.constant 0 : i32
      %dma_start3A_424 = tpu.memref_slice %arg9[%select_n3A_292, %dma_start3A_422, %dma_start3A_423] : memref<2x128x128xf32, #tpu.memory_space<vmem>> -> memref<1x128x128xf32, #tpu.memory_space<vmem>>
      %dma_start3A_425 = tpu.memref_squeeze %dma_start3A_424 : memref<1x128x128xf32, #tpu.memory_space<vmem>> -> memref<128x128xf32, #tpu.memory_space<vmem>>
      %dma_start3A_426 = arith.constant 0 : i32
      %dma_start3A_427 = tpu.memref_slice %arg8[%select_n3A_421, %select_n3A_348, %dma_start3A_426] : memref<2x8x128xi32, #tpu.memory_space<vmem>> -> memref<1x1x128xi32, #tpu.memory_space<vmem>>
      %dma_start3A_428 = tpu.memref_squeeze %dma_start3A_427 : memref<1x1x128xi32, #tpu.memory_space<vmem>> -> memref<128xi32, #tpu.memory_space<vmem>>
      %dma_start3A_429 = arith.constant 0 : i32
      %dma_start3A_430 = arith.constant 0 : i32
      %dma_start3A_431 = tpu.memref_slice %arg10[%dma_start3A_429, %dma_start3A_430] : memref<10240x128xf32, #tpu.memory_space<vmem_shared>> -> memref<10240x128xf32, #tpu.memory_space<vmem_shared>>
      %dma_start3A_432 = tpu.memref_slice %arg12[%select_n3A_292] : memref<2x!tpu.dma_semaphore, #tpu.memory_space<semaphore_mem>> -> memref<1x!tpu.dma_semaphore, #tpu.memory_space<semaphore_mem>>
      %dma_start3A_433 = tpu.memref_squeeze %dma_start3A_432 : memref<1x!tpu.dma_semaphore, #tpu.memory_space<semaphore_mem>> -> memref<!tpu.dma_semaphore, #tpu.memory_space<semaphore_mem>>
      tpu.enqueue_indirect_dma source(%dma_start3A_425 : memref<128x128xf32, #tpu.memory_space<vmem>>) target(%dma_start3A_431 : memref<10240x128xf32, #tpu.memory_space<vmem_shared>>) offsets(%dma_start3A_428 : memref<128xi32, #tpu.memory_space<vmem>>) semaphore(%dma_start3A_433 : memref<!tpu.dma_semaphore, #tpu.memory_space<semaphore_mem>>) {add = true}
    }
    %while3A_183 = arith.constant 1 : i32
    scf.for %while3A_280 = %while3A_181 to %while3A_177 step %while3A_183  : i32 {
      %jit3A_281 = arith.constant 2 : i32
      %eq3A_282 = arith.constant 0 : i32
      %eq3A_283 = arith.cmpi eq, %jit3A_281, %eq3A_282 : i32
      %jit3A_284 = arith.constant 1 : i32
      %select_n3A_285 = arith.select %eq3A_283, %jit3A_284, %jit3A_281 : i32
      %rem3A = arith.remsi %while3A_280, %select_n3A_285 : i32
      %ne3A = arith.constant 0 : i32
      %ne3A_286 = arith.cmpi ne, %rem3A, %ne3A : i32
      %lt3A = arith.constant 0 : i32
      %lt3A_287 = arith.cmpi slt, %rem3A, %lt3A : i32
      %lt3A_288 = arith.constant 0 : i32
      %lt3A_289 = arith.cmpi slt, %select_n3A_285, %lt3A_288 : i32
      %ne3A_290 = arith.xori %lt3A_287, %lt3A_289 : i1
      %and3A = arith.andi %ne3A_290, %ne3A_286 : i1
      %add3A_291 = arith.addi %rem3A, %select_n3A_285 : i32
      %select_n3A_292 = arith.select %and3A, %add3A_291, %rem3A : i32
      %add3A_293 = arith.constant 1 : i32
      %add3A_294 = arith.addi %while3A_280, %add3A_293 : i32
      %jit3A_295 = arith.constant 2 : i32
      %eq3A_296 = arith.constant 0 : i32
      %eq3A_297 = arith.cmpi eq, %jit3A_295, %eq3A_296 : i32
      %jit3A_298 = arith.constant 1 : i32
      %select_n3A_299 = arith.select %eq3A_297, %jit3A_298, %jit3A_295 : i32
      %rem3A_300 = arith.remsi %add3A_294, %select_n3A_299 : i32
      %ne3A_301 = arith.constant 0 : i32
      %ne3A_302 = arith.cmpi ne, %rem3A_300, %ne3A_301 : i32
      %lt3A_303 = arith.constant 0 : i32
      %lt3A_304 = arith.cmpi slt, %rem3A_300, %lt3A_303 : i32
      %lt3A_305 = arith.constant 0 : i32
      %lt3A_306 = arith.cmpi slt, %select_n3A_299, %lt3A_305 : i32
      %ne3A_307 = arith.xori %lt3A_304, %lt3A_306 : i1
      %and3A_308 = arith.andi %ne3A_307, %ne3A_302 : i1
      %add3A_309 = arith.addi %rem3A_300, %select_n3A_299 : i32
      %select_n3A_310 = arith.select %and3A_308, %add3A_309, %rem3A_300 : i32
      %jit3A_311 = arith.constant 8 : i32
      %div3A = arith.divsi %while3A_280, %jit3A_311 : i32
      %sign3A = arith.constant 0 : i32
      %sign3A_312 = arith.cmpi sgt, %while3A_280, %sign3A : i32
      %sign3A_313 = arith.extui %sign3A_312 : i1 to i32
      %sign3A_314 = arith.constant 0 : i32
      %sign3A_315 = arith.cmpi slt, %while3A_280, %sign3A_314 : i32
      %sign3A_316 = arith.extui %sign3A_315 : i1 to i32
      %sign3A_317 = arith.subi %sign3A_313, %sign3A_316 : i32
      %sign3A_318 = arith.constant 0 : i32
      %sign3A_319 = arith.cmpi sgt, %jit3A_311, %sign3A_318 : i32
      %sign3A_320 = arith.extui %sign3A_319 : i1 to i32
      %sign3A_321 = arith.constant 0 : i32
      %sign3A_322 = arith.cmpi slt, %jit3A_311, %sign3A_321 : i32
      %sign3A_323 = arith.extui %sign3A_322 : i1 to i32
      %sign3A_324 = arith.subi %sign3A_320, %sign3A_323 : i32
      %ne3A_325 = arith.cmpi ne, %sign3A_317, %sign3A_324 : i32
      %rem3A_326 = arith.remsi %while3A_280, %jit3A_311 : i32
      %ne3A_327 = arith.constant 0 : i32
      %ne3A_328 = arith.cmpi ne, %rem3A_326, %ne3A_327 : i32
      %and3A_329 = arith.andi %ne3A_325, %ne3A_328 : i1
      %sub3A_330 = arith.constant 1 : i32
      %sub3A_331 = arith.subi %div3A, %sub3A_330 : i32
      %select_n3A_332 = arith.select %and3A_329, %sub3A_331, %div3A : i32
      %jit3A_333 = arith.constant 8 : i32
      %eq3A_334 = arith.constant 0 : i32
      %eq3A_335 = arith.cmpi eq, %jit3A_333, %eq3A_334 : i32
      %jit3A_336 = arith.constant 1 : i32
      %select_n3A_337 = arith.select %eq3A_335, %jit3A_336, %jit3A_333 : i32
      %rem3A_338 = arith.remsi %while3A_280, %select_n3A_337 : i32
      %ne3A_339 = arith.constant 0 : i32
      %ne3A_340 = arith.cmpi ne, %rem3A_338, %ne3A_339 : i32
      %lt3A_341 = arith.constant 0 : i32
      %lt3A_342 = arith.cmpi slt, %rem3A_338, %lt3A_341 : i32
      %lt3A_343 = arith.constant 0 : i32
      %lt3A_344 = arith.cmpi slt, %select_n3A_337, %lt3A_343 : i32
      %ne3A_345 = arith.xori %lt3A_342, %lt3A_344 : i1
      %and3A_346 = arith.andi %ne3A_345, %ne3A_340 : i1
      %add3A_347 = arith.addi %rem3A_338, %select_n3A_337 : i32
      %select_n3A_348 = arith.select %and3A_346, %add3A_347, %rem3A_338 : i32
      %ge3A = arith.constant 1 : i32
      %ge3A_349 = arith.cmpi sge, %while3A_280, %ge3A : i32
      %convert_element_type3A_350 = arith.extui %ge3A_349 : i1 to i32
      %cond3A_351 = arith.constant 0 : i32
      %cond3A_352 = arith.cmpi ne, %convert_element_type3A_350, %cond3A_351 : i32
      scf.if %cond3A_352 {
        %dma_wait3A_434 = arith.constant 0 : i32
        %dma_wait3A_435 = arith.constant 0 : i32
        %dma_wait3A_436 = arith.constant 0 : i32
        %dma_wait3A_437 = tpu.memref_slice %arg9[%dma_wait3A_434, %dma_wait3A_435, %dma_wait3A_436] : memref<2x128x128xf32, #tpu.memory_space<vmem>> -> memref<1x128x128xf32, #tpu.memory_space<vmem>>
        %dma_wait3A_438 = tpu.memref_squeeze %dma_wait3A_437 : memref<1x128x128xf32, #tpu.memory_space<vmem>> -> memref<128x128xf32, #tpu.memory_space<vmem>>
        %dma_wait3A_439 = arith.constant 0 : i32
        %dma_wait3A_440 = arith.constant 0 : i32
        %dma_wait3A_441 = tpu.memref_slice %arg10[%dma_wait3A_439, %dma_wait3A_440] : memref<10240x128xf32, #tpu.memory_space<vmem_shared>> -> memref<128x128xf32, #tpu.memory_space<vmem_shared>>
        %dma_wait3A_442 = tpu.memref_slice %arg12[%select_n3A_310] : memref<2x!tpu.dma_semaphore, #tpu.memory_space<semaphore_mem>> -> memref<1x!tpu.dma_semaphore, #tpu.memory_space<semaphore_mem>>
        %dma_wait3A_443 = tpu.memref_squeeze %dma_wait3A_442 : memref<1x!tpu.dma_semaphore, #tpu.memory_space<semaphore_mem>> -> memref<!tpu.dma_semaphore, #tpu.memory_space<semaphore_mem>>
        %dma_wait3A_444 = arith.constant 0 : i32
        %dma_wait3A_445 = arith.constant 0 : i32
        %dma_wait3A_446 = tpu.memref_slice %arg10[%dma_wait3A_444, %dma_wait3A_445] : memref<10240x128xf32, #tpu.memory_space<vmem_shared>> -> memref<128x128xf32, #tpu.memory_space<vmem_shared>>
        %dma_wait3A_447 = arith.constant 0 : i32
        %dma_wait3A_448 = arith.constant 0 : i32
        %dma_wait3A_449 = tpu.memref_slice %arg9[%dma_wait3A_434, %dma_wait3A_447, %dma_wait3A_448] : memref<2x128x128xf32, #tpu.memory_space<vmem>> -> memref<1x128x128xf32, #tpu.memory_space<vmem>>
        %dma_wait3A_450 = tpu.memref_squeeze %dma_wait3A_449 : memref<1x128x128xf32, #tpu.memory_space<vmem>> -> memref<128x128xf32, #tpu.memory_space<vmem>>
        tpu.wait_dma2 semaphore(%dma_wait3A_443 : memref<!tpu.dma_semaphore, #tpu.memory_space<semaphore_mem>>) src(%dma_wait3A_450 : memref<128x128xf32, #tpu.memory_space<vmem>>) dst(%dma_wait3A_446 : memref<128x128xf32, #tpu.memory_space<vmem_shared>>)
      } else {
      }
      %add3A_353 = arith.constant 1 : i32
      %add3A_354 = arith.addi %select_n3A_332, %add3A_353 : i32
      %mul3A_355 = arith.constant 8 : i32
      %mul3A_356 = arith.muli %add3A_354, %mul3A_355 : i32
      %add3A_357 = arith.addi %select_n3A, %mul3A_356 : i32
      %eq3A_358 = arith.constant 1 : i32
      %eq3A_359 = arith.cmpi eq, %select_n3A_348, %eq3A_358 : i32
      %add3A_360 = arith.constant 1 : i32
      %add3A_361 = arith.addi %select_n3A_332, %add3A_360 : i32
      %mul3A_362 = arith.constant 8 : i32
      %mul3A_363 = arith.muli %add3A_361, %mul3A_362 : i32
      %lt3A_364 = arith.cmpi slt, %mul3A_363, %select_n3A_10 : i32
      %and3A_365 = arith.andi %eq3A_359, %lt3A_364 : i1
      %lt3A_366 = arith.constant 2496 : i32
      %lt3A_367 = arith.cmpi slt, %add3A_357, %lt3A_366 : i32
      %and3A_368 = arith.andi %and3A_365, %lt3A_367 : i1
      %convert_element_type3A_369 = arith.extui %and3A_368 : i1 to i32
      %cond3A_370 = arith.constant 0 : i32
      %cond3A_371 = arith.cmpi ne, %convert_element_type3A_369, %cond3A_370 : i32
      scf.if %cond3A_371 {
        %add3A_434 = arith.constant 1 : i32
        %add3A_435 = arith.addi %select_n3A_332, %add3A_434 : i32
        %jit3A_436 = arith.constant 2 : i32
        %eq3A_437 = arith.constant 0 : i32
        %eq3A_438 = arith.cmpi eq, %jit3A_436, %eq3A_437 : i32
        %jit3A_439 = arith.constant 1 : i32
        %select_n3A_440 = arith.select %eq3A_438, %jit3A_439, %jit3A_436 : i32
        %rem3A_441 = arith.remsi %add3A_435, %select_n3A_440 : i32
        %ne3A_442 = arith.constant 0 : i32
        %ne3A_443 = arith.cmpi ne, %rem3A_441, %ne3A_442 : i32
        %lt3A_444 = arith.constant 0 : i32
        %lt3A_445 = arith.cmpi slt, %rem3A_441, %lt3A_444 : i32
        %lt3A_446 = arith.constant 0 : i32
        %lt3A_447 = arith.cmpi slt, %select_n3A_440, %lt3A_446 : i32
        %ne3A_448 = arith.xori %lt3A_445, %lt3A_447 : i1
        %and3A_449 = arith.andi %ne3A_448, %ne3A_443 : i1
        %add3A_450 = arith.addi %rem3A_441, %select_n3A_440 : i32
        %select_n3A_451 = arith.select %and3A_449, %add3A_450, %rem3A_441 : i32
        %dma_start3A_452 = arith.constant 0 : i32
        %dma_start3A_453 = arith.constant 0 : i32
        %dma_start3A_454 = tpu.memref_slice %arg7[%select_n3A_451, %dma_start3A_452, %dma_start3A_453] : memref<2x8x128xi32, #tpu.memory_space<vmem>> -> memref<1x8x128xi32, #tpu.memory_space<vmem>>
        %dma_start3A_455 = tpu.memref_squeeze %dma_start3A_454 : memref<1x8x128xi32, #tpu.memory_space<vmem>> -> memref<8x128xi32, #tpu.memory_space<vmem>>
        %dma_start3A_456 = arith.constant 0 : i32
        %dma_start3A_457 = tpu.memref_slice %arg3[%add3A_357, %dma_start3A_456] : memref<2500x128xi32, #tpu.memory_space<hbm>> -> memref<8x128xi32, #tpu.memory_space<hbm>>
        %dma_start3A_458 = arith.constant 0 : i32
        %dma_start3A_459 = arith.constant 0 : i32
        %dma_start3A_460 = tpu.memref_slice %arg7[%select_n3A_451, %dma_start3A_458, %dma_start3A_459] : memref<2x8x128xi32, #tpu.memory_space<vmem>> -> memref<1x8x128xi32, #tpu.memory_space<vmem>>
        %dma_start3A_461 = tpu.memref_squeeze %dma_start3A_460 : memref<1x8x128xi32, #tpu.memory_space<vmem>> -> memref<8x128xi32, #tpu.memory_space<vmem>>
        %dma_start3A_462 = arith.constant 0 : i32
        %dma_start3A_463 = tpu.memref_slice %arg3[%add3A_357, %dma_start3A_462] : memref<2500x128xi32, #tpu.memory_space<hbm>> -> memref<8x128xi32, #tpu.memory_space<hbm>>
        tpu.enqueue_dma source(%dma_start3A_463 : memref<8x128xi32, #tpu.memory_space<hbm>>) target(%dma_start3A_461 : memref<8x128xi32, #tpu.memory_space<vmem>>) target_semaphore(%arg13 : memref<!tpu.dma_semaphore, #tpu.memory_space<semaphore_mem>>)
        %add3A_464 = arith.constant 1 : i32
        %add3A_465 = arith.addi %select_n3A_332, %add3A_464 : i32
        %jit3A_466 = arith.constant 2 : i32
        %eq3A_467 = arith.constant 0 : i32
        %eq3A_468 = arith.cmpi eq, %jit3A_466, %eq3A_467 : i32
        %jit3A_469 = arith.constant 1 : i32
        %select_n3A_470 = arith.select %eq3A_468, %jit3A_469, %jit3A_466 : i32
        %rem3A_471 = arith.remsi %add3A_465, %select_n3A_470 : i32
        %ne3A_472 = arith.constant 0 : i32
        %ne3A_473 = arith.cmpi ne, %rem3A_471, %ne3A_472 : i32
        %lt3A_474 = arith.constant 0 : i32
        %lt3A_475 = arith.cmpi slt, %rem3A_471, %lt3A_474 : i32
        %lt3A_476 = arith.constant 0 : i32
        %lt3A_477 = arith.cmpi slt, %select_n3A_470, %lt3A_476 : i32
        %ne3A_478 = arith.xori %lt3A_475, %lt3A_477 : i1
        %and3A_479 = arith.andi %ne3A_478, %ne3A_473 : i1
        %add3A_480 = arith.addi %rem3A_471, %select_n3A_470 : i32
        %select_n3A_481 = arith.select %and3A_479, %add3A_480, %rem3A_471 : i32
        %dma_start3A_482 = arith.constant 0 : i32
        %dma_start3A_483 = arith.constant 0 : i32
        %dma_start3A_484 = tpu.memref_slice %arg8[%select_n3A_481, %dma_start3A_482, %dma_start3A_483] : memref<2x8x128xi32, #tpu.memory_space<vmem>> -> memref<1x8x128xi32, #tpu.memory_space<vmem>>
        %dma_start3A_485 = tpu.memref_squeeze %dma_start3A_484 : memref<1x8x128xi32, #tpu.memory_space<vmem>> -> memref<8x128xi32, #tpu.memory_space<vmem>>
        %dma_start3A_486 = arith.constant 0 : i32
        %dma_start3A_487 = tpu.memref_slice %arg4[%add3A_357, %dma_start3A_486] : memref<2500x128xi32, #tpu.memory_space<hbm>> -> memref<8x128xi32, #tpu.memory_space<hbm>>
        %dma_start3A_488 = arith.constant 0 : i32
        %dma_start3A_489 = arith.constant 0 : i32
        %dma_start3A_490 = tpu.memref_slice %arg8[%select_n3A_481, %dma_start3A_488, %dma_start3A_489] : memref<2x8x128xi32, #tpu.memory_space<vmem>> -> memref<1x8x128xi32, #tpu.memory_space<vmem>>
        %dma_start3A_491 = tpu.memref_squeeze %dma_start3A_490 : memref<1x8x128xi32, #tpu.memory_space<vmem>> -> memref<8x128xi32, #tpu.memory_space<vmem>>
        %dma_start3A_492 = arith.constant 0 : i32
        %dma_start3A_493 = tpu.memref_slice %arg4[%add3A_357, %dma_start3A_492] : memref<2500x128xi32, #tpu.memory_space<hbm>> -> memref<8x128xi32, #tpu.memory_space<hbm>>
        tpu.enqueue_dma source(%dma_start3A_493 : memref<8x128xi32, #tpu.memory_space<hbm>>) target(%dma_start3A_491 : memref<8x128xi32, #tpu.memory_space<vmem>>) target_semaphore(%arg13 : memref<!tpu.dma_semaphore, #tpu.memory_space<semaphore_mem>>)
      } else {
      }
      %eq3A_372 = arith.constant 1 : i32
      %eq3A_373 = arith.cmpi eq, %select_n3A_348, %eq3A_372 : i32
      %add3A_374 = arith.constant 1 : i32
      %add3A_375 = arith.addi %select_n3A_332, %add3A_374 : i32
      %mul3A_376 = arith.constant 8 : i32
      %mul3A_377 = arith.muli %add3A_375, %mul3A_376 : i32
      %lt3A_378 = arith.cmpi slt, %mul3A_377, %select_n3A_10 : i32
      %and3A_379 = arith.andi %eq3A_373, %lt3A_378 : i1
      %ge3A_380 = arith.constant 2496 : i32
      %ge3A_381 = arith.cmpi sge, %add3A_357, %ge3A_380 : i32
      %and3A_382 = arith.andi %and3A_379, %ge3A_381 : i1
      %convert_element_type3A_383 = arith.extui %and3A_382 : i1 to i32
      %cond3A_384 = arith.constant 0 : i32
      %cond3A_385 = arith.cmpi ne, %convert_element_type3A_383, %cond3A_384 : i32
      scf.if %cond3A_385 {
        %add3A_434 = arith.constant 1 : i32
        %add3A_435 = arith.addi %select_n3A_332, %add3A_434 : i32
        %jit3A_436 = arith.constant 2 : i32
        %eq3A_437 = arith.constant 0 : i32
        %eq3A_438 = arith.cmpi eq, %jit3A_436, %eq3A_437 : i32
        %jit3A_439 = arith.constant 1 : i32
        %select_n3A_440 = arith.select %eq3A_438, %jit3A_439, %jit3A_436 : i32
        %rem3A_441 = arith.remsi %add3A_435, %select_n3A_440 : i32
        %ne3A_442 = arith.constant 0 : i32
        %ne3A_443 = arith.cmpi ne, %rem3A_441, %ne3A_442 : i32
        %lt3A_444 = arith.constant 0 : i32
        %lt3A_445 = arith.cmpi slt, %rem3A_441, %lt3A_444 : i32
        %lt3A_446 = arith.constant 0 : i32
        %lt3A_447 = arith.cmpi slt, %select_n3A_440, %lt3A_446 : i32
        %ne3A_448 = arith.xori %lt3A_445, %lt3A_447 : i1
        %and3A_449 = arith.andi %ne3A_448, %ne3A_443 : i1
        %add3A_450 = arith.addi %rem3A_441, %select_n3A_440 : i32
        %select_n3A_451 = arith.select %and3A_449, %add3A_450, %rem3A_441 : i32
        %dma_start3A_452 = arith.constant 0 : i32
        %dma_start3A_453 = arith.constant 0 : i32
        %dma_start3A_454 = arith.constant 0 : i32
        %dma_start3A_455 = tpu.memref_slice %arg7[%select_n3A_451, %dma_start3A_453, %dma_start3A_454] : memref<2x8x128xi32, #tpu.memory_space<vmem>> -> memref<1x8x128xi32, #tpu.memory_space<vmem>>
        %dma_start3A_456 = tpu.memref_squeeze %dma_start3A_455 : memref<1x8x128xi32, #tpu.memory_space<vmem>> -> memref<8x128xi32, #tpu.memory_space<vmem>>
        %dma_start3A_457 = arith.constant 0 : i32
        %dma_start3A_458 = arith.constant 0 : i32
        %dma_start3A_459 = tpu.memref_slice %arg5[%dma_start3A_452, %dma_start3A_457, %dma_start3A_458] : memref<2x8x128xi32, #tpu.memory_space<hbm>> -> memref<1x8x128xi32, #tpu.memory_space<hbm>>
        %dma_start3A_460 = tpu.memref_squeeze %dma_start3A_459 : memref<1x8x128xi32, #tpu.memory_space<hbm>> -> memref<8x128xi32, #tpu.memory_space<hbm>>
        %dma_start3A_461 = arith.constant 0 : i32
        %dma_start3A_462 = arith.constant 0 : i32
        %dma_start3A_463 = tpu.memref_slice %arg7[%select_n3A_451, %dma_start3A_461, %dma_start3A_462] : memref<2x8x128xi32, #tpu.memory_space<vmem>> -> memref<1x8x128xi32, #tpu.memory_space<vmem>>
        %dma_start3A_464 = tpu.memref_squeeze %dma_start3A_463 : memref<1x8x128xi32, #tpu.memory_space<vmem>> -> memref<8x128xi32, #tpu.memory_space<vmem>>
        %dma_start3A_465 = arith.constant 0 : i32
        %dma_start3A_466 = arith.constant 0 : i32
        %dma_start3A_467 = tpu.memref_slice %arg5[%dma_start3A_452, %dma_start3A_465, %dma_start3A_466] : memref<2x8x128xi32, #tpu.memory_space<hbm>> -> memref<1x8x128xi32, #tpu.memory_space<hbm>>
        %dma_start3A_468 = tpu.memref_squeeze %dma_start3A_467 : memref<1x8x128xi32, #tpu.memory_space<hbm>> -> memref<8x128xi32, #tpu.memory_space<hbm>>
        tpu.enqueue_dma source(%dma_start3A_468 : memref<8x128xi32, #tpu.memory_space<hbm>>) target(%dma_start3A_464 : memref<8x128xi32, #tpu.memory_space<vmem>>) target_semaphore(%arg13 : memref<!tpu.dma_semaphore, #tpu.memory_space<semaphore_mem>>)
        %add3A_469 = arith.constant 1 : i32
        %add3A_470 = arith.addi %select_n3A_332, %add3A_469 : i32
        %jit3A_471 = arith.constant 2 : i32
        %eq3A_472 = arith.constant 0 : i32
        %eq3A_473 = arith.cmpi eq, %jit3A_471, %eq3A_472 : i32
        %jit3A_474 = arith.constant 1 : i32
        %select_n3A_475 = arith.select %eq3A_473, %jit3A_474, %jit3A_471 : i32
        %rem3A_476 = arith.remsi %add3A_470, %select_n3A_475 : i32
        %ne3A_477 = arith.constant 0 : i32
        %ne3A_478 = arith.cmpi ne, %rem3A_476, %ne3A_477 : i32
        %lt3A_479 = arith.constant 0 : i32
        %lt3A_480 = arith.cmpi slt, %rem3A_476, %lt3A_479 : i32
        %lt3A_481 = arith.constant 0 : i32
        %lt3A_482 = arith.cmpi slt, %select_n3A_475, %lt3A_481 : i32
        %ne3A_483 = arith.xori %lt3A_480, %lt3A_482 : i1
        %and3A_484 = arith.andi %ne3A_483, %ne3A_478 : i1
        %add3A_485 = arith.addi %rem3A_476, %select_n3A_475 : i32
        %select_n3A_486 = arith.select %and3A_484, %add3A_485, %rem3A_476 : i32
        %dma_start3A_487 = arith.constant 1 : i32
        %dma_start3A_488 = arith.constant 0 : i32
        %dma_start3A_489 = arith.constant 0 : i32
        %dma_start3A_490 = tpu.memref_slice %arg8[%select_n3A_486, %dma_start3A_488, %dma_start3A_489] : memref<2x8x128xi32, #tpu.memory_space<vmem>> -> memref<1x8x128xi32, #tpu.memory_space<vmem>>
        %dma_start3A_491 = tpu.memref_squeeze %dma_start3A_490 : memref<1x8x128xi32, #tpu.memory_space<vmem>> -> memref<8x128xi32, #tpu.memory_space<vmem>>
        %dma_start3A_492 = arith.constant 0 : i32
        %dma_start3A_493 = arith.constant 0 : i32
        %dma_start3A_494 = tpu.memref_slice %arg5[%dma_start3A_487, %dma_start3A_492, %dma_start3A_493] : memref<2x8x128xi32, #tpu.memory_space<hbm>> -> memref<1x8x128xi32, #tpu.memory_space<hbm>>
        %dma_start3A_495 = tpu.memref_squeeze %dma_start3A_494 : memref<1x8x128xi32, #tpu.memory_space<hbm>> -> memref<8x128xi32, #tpu.memory_space<hbm>>
        %dma_start3A_496 = arith.constant 0 : i32
        %dma_start3A_497 = arith.constant 0 : i32
        %dma_start3A_498 = tpu.memref_slice %arg8[%select_n3A_486, %dma_start3A_496, %dma_start3A_497] : memref<2x8x128xi32, #tpu.memory_space<vmem>> -> memref<1x8x128xi32, #tpu.memory_space<vmem>>
        %dma_start3A_499 = tpu.memref_squeeze %dma_start3A_498 : memref<1x8x128xi32, #tpu.memory_space<vmem>> -> memref<8x128xi32, #tpu.memory_space<vmem>>
        %dma_start3A_500 = arith.constant 0 : i32
        %dma_start3A_501 = arith.constant 0 : i32
        %dma_start3A_502 = tpu.memref_slice %arg5[%dma_start3A_487, %dma_start3A_500, %dma_start3A_501] : memref<2x8x128xi32, #tpu.memory_space<hbm>> -> memref<1x8x128xi32, #tpu.memory_space<hbm>>
        %dma_start3A_503 = tpu.memref_squeeze %dma_start3A_502 : memref<1x8x128xi32, #tpu.memory_space<hbm>> -> memref<8x128xi32, #tpu.memory_space<hbm>>
        tpu.enqueue_dma source(%dma_start3A_503 : memref<8x128xi32, #tpu.memory_space<hbm>>) target(%dma_start3A_499 : memref<8x128xi32, #tpu.memory_space<vmem>>) target_semaphore(%arg13 : memref<!tpu.dma_semaphore, #tpu.memory_space<semaphore_mem>>)
      } else {
      }
      %add3A_386 = arith.constant 1 : i32
      %add3A_387 = arith.addi %while3A_280, %add3A_386 : i32
      %lt3A_388 = arith.cmpi slt, %add3A_387, %select_n3A_10 : i32
      %convert_element_type3A_389 = arith.extui %lt3A_388 : i1 to i32
      %cond3A_390 = arith.constant 0 : i32
      %cond3A_391 = arith.cmpi ne, %convert_element_type3A_389, %cond3A_390 : i32
      scf.if %cond3A_391 {
        %eq3A_434 = arith.constant 7 : i32
        %eq3A_435 = arith.cmpi eq, %select_n3A_348, %eq3A_434 : i32
        %convert_element_type3A_436 = arith.extui %eq3A_435 : i1 to i32
        %cond3A_437 = arith.constant 0 : i32
        %cond3A_438 = arith.cmpi ne, %convert_element_type3A_436, %cond3A_437 : i32
        scf.if %cond3A_438 {
          %dma_wait3A_511 = arith.constant 0 : i32
          %dma_wait3A_512 = arith.constant 0 : i32
          %dma_wait3A_513 = arith.constant 0 : i32
          %dma_wait3A_514 = tpu.memref_slice %arg7[%dma_wait3A_511, %dma_wait3A_512, %dma_wait3A_513] : memref<2x8x128xi32, #tpu.memory_space<vmem>> -> memref<1x8x128xi32, #tpu.memory_space<vmem>>
          %dma_wait3A_515 = tpu.memref_squeeze %dma_wait3A_514 : memref<1x8x128xi32, #tpu.memory_space<vmem>> -> memref<8x128xi32, #tpu.memory_space<vmem>>
          %dma_wait3A_516 = arith.constant 0 : i32
          %dma_wait3A_517 = tpu.memref_slice %arg3[%select_n3A, %dma_wait3A_516] : memref<2500x128xi32, #tpu.memory_space<hbm>> -> memref<8x128xi32, #tpu.memory_space<hbm>>
          %dma_wait3A_518 = arith.constant 0 : i32
          %dma_wait3A_519 = arith.constant 0 : i32
          %dma_wait3A_520 = tpu.memref_slice %arg7[%dma_wait3A_511, %dma_wait3A_518, %dma_wait3A_519] : memref<2x8x128xi32, #tpu.memory_space<vmem>> -> memref<1x8x128xi32, #tpu.memory_space<vmem>>
          %dma_wait3A_521 = tpu.memref_squeeze %dma_wait3A_520 : memref<1x8x128xi32, #tpu.memory_space<vmem>> -> memref<8x128xi32, #tpu.memory_space<vmem>>
          %dma_wait3A_522 = arith.constant 0 : i32
          %dma_wait3A_523 = tpu.memref_slice %arg3[%select_n3A, %dma_wait3A_522] : memref<2500x128xi32, #tpu.memory_space<hbm>> -> memref<8x128xi32, #tpu.memory_space<hbm>>
          tpu.wait_dma2 semaphore(%arg13 : memref<!tpu.dma_semaphore, #tpu.memory_space<semaphore_mem>>) src(%dma_wait3A_523 : memref<8x128xi32, #tpu.memory_space<hbm>>) dst(%dma_wait3A_521 : memref<8x128xi32, #tpu.memory_space<vmem>>)
          %dma_wait3A_524 = arith.constant 0 : i32
          %dma_wait3A_525 = arith.constant 0 : i32
          %dma_wait3A_526 = arith.constant 0 : i32
          %dma_wait3A_527 = tpu.memref_slice %arg7[%dma_wait3A_524, %dma_wait3A_525, %dma_wait3A_526] : memref<2x8x128xi32, #tpu.memory_space<vmem>> -> memref<1x8x128xi32, #tpu.memory_space<vmem>>
          %dma_wait3A_528 = tpu.memref_squeeze %dma_wait3A_527 : memref<1x8x128xi32, #tpu.memory_space<vmem>> -> memref<8x128xi32, #tpu.memory_space<vmem>>
          %dma_wait3A_529 = arith.constant 0 : i32
          %dma_wait3A_530 = tpu.memref_slice %arg3[%select_n3A, %dma_wait3A_529] : memref<2500x128xi32, #tpu.memory_space<hbm>> -> memref<8x128xi32, #tpu.memory_space<hbm>>
          %dma_wait3A_531 = arith.constant 0 : i32
          %dma_wait3A_532 = arith.constant 0 : i32
          %dma_wait3A_533 = tpu.memref_slice %arg7[%dma_wait3A_524, %dma_wait3A_531, %dma_wait3A_532] : memref<2x8x128xi32, #tpu.memory_space<vmem>> -> memref<1x8x128xi32, #tpu.memory_space<vmem>>
          %dma_wait3A_534 = tpu.memref_squeeze %dma_wait3A_533 : memref<1x8x128xi32, #tpu.memory_space<vmem>> -> memref<8x128xi32, #tpu.memory_space<vmem>>
          %dma_wait3A_535 = arith.constant 0 : i32
          %dma_wait3A_536 = tpu.memref_slice %arg3[%select_n3A, %dma_wait3A_535] : memref<2500x128xi32, #tpu.memory_space<hbm>> -> memref<8x128xi32, #tpu.memory_space<hbm>>
          tpu.wait_dma2 semaphore(%arg13 : memref<!tpu.dma_semaphore, #tpu.memory_space<semaphore_mem>>) src(%dma_wait3A_536 : memref<8x128xi32, #tpu.memory_space<hbm>>) dst(%dma_wait3A_534 : memref<8x128xi32, #tpu.memory_space<vmem>>)
        } else {
        }
        %add3A_439 = arith.constant 1 : i32
        %add3A_440 = arith.addi %while3A_280, %add3A_439 : i32
        %jit3A_441 = arith.constant 8 : i32
        %div3A_442 = arith.divsi %add3A_440, %jit3A_441 : i32
        %sign3A_443 = arith.constant 0 : i32
        %sign3A_444 = arith.cmpi sgt, %add3A_440, %sign3A_443 : i32
        %sign3A_445 = arith.extui %sign3A_444 : i1 to i32
        %sign3A_446 = arith.constant 0 : i32
        %sign3A_447 = arith.cmpi slt, %add3A_440, %sign3A_446 : i32
        %sign3A_448 = arith.extui %sign3A_447 : i1 to i32
        %sign3A_449 = arith.subi %sign3A_445, %sign3A_448 : i32
        %sign3A_450 = arith.constant 0 : i32
        %sign3A_451 = arith.cmpi sgt, %jit3A_441, %sign3A_450 : i32
        %sign3A_452 = arith.extui %sign3A_451 : i1 to i32
        %sign3A_453 = arith.constant 0 : i32
        %sign3A_454 = arith.cmpi slt, %jit3A_441, %sign3A_453 : i32
        %sign3A_455 = arith.extui %sign3A_454 : i1 to i32
        %sign3A_456 = arith.subi %sign3A_452, %sign3A_455 : i32
        %ne3A_457 = arith.cmpi ne, %sign3A_449, %sign3A_456 : i32
        %rem3A_458 = arith.remsi %add3A_440, %jit3A_441 : i32
        %ne3A_459 = arith.constant 0 : i32
        %ne3A_460 = arith.cmpi ne, %rem3A_458, %ne3A_459 : i32
        %and3A_461 = arith.andi %ne3A_457, %ne3A_460 : i1
        %sub3A_462 = arith.constant 1 : i32
        %sub3A_463 = arith.subi %div3A_442, %sub3A_462 : i32
        %select_n3A_464 = arith.select %and3A_461, %sub3A_463, %div3A_442 : i32
        %jit3A_465 = arith.constant 2 : i32
        %eq3A_466 = arith.constant 0 : i32
        %eq3A_467 = arith.cmpi eq, %jit3A_465, %eq3A_466 : i32
        %jit3A_468 = arith.constant 1 : i32
        %select_n3A_469 = arith.select %eq3A_467, %jit3A_468, %jit3A_465 : i32
        %rem3A_470 = arith.remsi %select_n3A_464, %select_n3A_469 : i32
        %ne3A_471 = arith.constant 0 : i32
        %ne3A_472 = arith.cmpi ne, %rem3A_470, %ne3A_471 : i32
        %lt3A_473 = arith.constant 0 : i32
        %lt3A_474 = arith.cmpi slt, %rem3A_470, %lt3A_473 : i32
        %lt3A_475 = arith.constant 0 : i32
        %lt3A_476 = arith.cmpi slt, %select_n3A_469, %lt3A_475 : i32
        %ne3A_477 = arith.xori %lt3A_474, %lt3A_476 : i1
        %and3A_478 = arith.andi %ne3A_477, %ne3A_472 : i1
        %add3A_479 = arith.addi %rem3A_470, %select_n3A_469 : i32
        %select_n3A_480 = arith.select %and3A_478, %add3A_479, %rem3A_470 : i32
        %add3A_481 = arith.constant 1 : i32
        %add3A_482 = arith.addi %while3A_280, %add3A_481 : i32
        %jit3A_483 = arith.constant 8 : i32
        %eq3A_484 = arith.constant 0 : i32
        %eq3A_485 = arith.cmpi eq, %jit3A_483, %eq3A_484 : i32
        %jit3A_486 = arith.constant 1 : i32
        %select_n3A_487 = arith.select %eq3A_485, %jit3A_486, %jit3A_483 : i32
        %rem3A_488 = arith.remsi %add3A_482, %select_n3A_487 : i32
        %ne3A_489 = arith.constant 0 : i32
        %ne3A_490 = arith.cmpi ne, %rem3A_488, %ne3A_489 : i32
        %lt3A_491 = arith.constant 0 : i32
        %lt3A_492 = arith.cmpi slt, %rem3A_488, %lt3A_491 : i32
        %lt3A_493 = arith.constant 0 : i32
        %lt3A_494 = arith.cmpi slt, %select_n3A_487, %lt3A_493 : i32
        %ne3A_495 = arith.xori %lt3A_492, %lt3A_494 : i1
        %and3A_496 = arith.andi %ne3A_495, %ne3A_490 : i1
        %add3A_497 = arith.addi %rem3A_488, %select_n3A_487 : i32
        %select_n3A_498 = arith.select %and3A_496, %add3A_497, %rem3A_488 : i32
        %dma_start3A_499 = arith.constant 0 : i32
        %dma_start3A_500 = arith.constant 0 : i32
        %dma_start3A_501 = tpu.memref_slice %arg9[%select_n3A_310, %dma_start3A_499, %dma_start3A_500] : memref<2x128x128xf32, #tpu.memory_space<vmem>> -> memref<1x128x128xf32, #tpu.memory_space<vmem>>
        %dma_start3A_502 = tpu.memref_squeeze %dma_start3A_501 : memref<1x128x128xf32, #tpu.memory_space<vmem>> -> memref<128x128xf32, #tpu.memory_space<vmem>>
        %dma_start3A_503 = arith.constant 0 : i32
        %dma_start3A_504 = tpu.memref_slice %arg7[%select_n3A_480, %select_n3A_498, %dma_start3A_503] : memref<2x8x128xi32, #tpu.memory_space<vmem>> -> memref<1x1x128xi32, #tpu.memory_space<vmem>>
        %dma_start3A_505 = tpu.memref_squeeze %dma_start3A_504 : memref<1x1x128xi32, #tpu.memory_space<vmem>> -> memref<128xi32, #tpu.memory_space<vmem>>
        %dma_start3A_506 = arith.constant 0 : i32
        %dma_start3A_507 = arith.constant 0 : i32
        %dma_start3A_508 = tpu.memref_slice %arg2[%dma_start3A_506, %dma_start3A_507] : memref<10240x128xf32, #tpu.memory_space<hbm>> -> memref<10240x128xf32, #tpu.memory_space<hbm>>
        %dma_start3A_509 = tpu.memref_slice %arg11[%select_n3A_310] : memref<2x!tpu.dma_semaphore, #tpu.memory_space<semaphore_mem>> -> memref<1x!tpu.dma_semaphore, #tpu.memory_space<semaphore_mem>>
        %dma_start3A_510 = tpu.memref_squeeze %dma_start3A_509 : memref<1x!tpu.dma_semaphore, #tpu.memory_space<semaphore_mem>> -> memref<!tpu.dma_semaphore, #tpu.memory_space<semaphore_mem>>
        tpu.enqueue_indirect_dma source(%dma_start3A_508 : memref<10240x128xf32, #tpu.memory_space<hbm>>) target(%dma_start3A_502 : memref<128x128xf32, #tpu.memory_space<vmem>>) offsets(%dma_start3A_505 : memref<128xi32, #tpu.memory_space<vmem>>) semaphore(%dma_start3A_510 : memref<!tpu.dma_semaphore, #tpu.memory_space<semaphore_mem>>)
      } else {
      }
      %dma_wait3A_392 = arith.constant 0 : i32
      %dma_wait3A_393 = arith.constant 0 : i32
      %dma_wait3A_394 = arith.constant 0 : i32
      %dma_wait3A_395 = arith.constant 0 : i32
      %dma_wait3A_396 = tpu.memref_slice %arg9[%select_n3A_292, %dma_wait3A_394, %dma_wait3A_395] : memref<2x128x128xf32, #tpu.memory_space<vmem>> -> memref<1x128x128xf32, #tpu.memory_space<vmem>>
      %dma_wait3A_397 = tpu.memref_squeeze %dma_wait3A_396 : memref<1x128x128xf32, #tpu.memory_space<vmem>> -> memref<128x128xf32, #tpu.memory_space<vmem>>
      %dma_wait3A_398 = arith.constant 0 : i32
      %dma_wait3A_399 = tpu.memref_slice %arg7[%dma_wait3A_392, %dma_wait3A_393, %dma_wait3A_398] : memref<2x8x128xi32, #tpu.memory_space<vmem>> -> memref<1x1x128xi32, #tpu.memory_space<vmem>>
      %dma_wait3A_400 = tpu.memref_squeeze %dma_wait3A_399 : memref<1x1x128xi32, #tpu.memory_space<vmem>> -> memref<128xi32, #tpu.memory_space<vmem>>
      %dma_wait3A_401 = arith.constant 0 : i32
      %dma_wait3A_402 = arith.constant 0 : i32
      %dma_wait3A_403 = tpu.memref_slice %arg2[%dma_wait3A_401, %dma_wait3A_402] : memref<10240x128xf32, #tpu.memory_space<hbm>> -> memref<10240x128xf32, #tpu.memory_space<hbm>>
      %dma_wait3A_404 = tpu.memref_slice %arg11[%select_n3A_292] : memref<2x!tpu.dma_semaphore, #tpu.memory_space<semaphore_mem>> -> memref<1x!tpu.dma_semaphore, #tpu.memory_space<semaphore_mem>>
      %dma_wait3A_405 = tpu.memref_squeeze %dma_wait3A_404 : memref<1x!tpu.dma_semaphore, #tpu.memory_space<semaphore_mem>> -> memref<!tpu.dma_semaphore, #tpu.memory_space<semaphore_mem>>
      tpu.wait_indirect_dma semaphore(%dma_wait3A_405 : memref<!tpu.dma_semaphore, #tpu.memory_space<semaphore_mem>>) src(%dma_wait3A_403 : memref<10240x128xf32, #tpu.memory_space<hbm>>) dst(%dma_wait3A_397 : memref<128x128xf32, #tpu.memory_space<vmem>>)
      %jit3A_406 = arith.constant 2 : i32
      %eq3A_407 = arith.constant 0 : i32
      %eq3A_408 = arith.cmpi eq, %jit3A_406, %eq3A_407 : i32
      %jit3A_409 = arith.constant 1 : i32
      %select_n3A_410 = arith.select %eq3A_408, %jit3A_409, %jit3A_406 : i32
      %rem3A_411 = arith.remsi %select_n3A_332, %select_n3A_410 : i32
      %ne3A_412 = arith.constant 0 : i32
      %ne3A_413 = arith.cmpi ne, %rem3A_411, %ne3A_412 : i32
      %lt3A_414 = arith.constant 0 : i32
      %lt3A_415 = arith.cmpi slt, %rem3A_411, %lt3A_414 : i32
      %lt3A_416 = arith.constant 0 : i32
      %lt3A_417 = arith.cmpi slt, %select_n3A_410, %lt3A_416 : i32
      %ne3A_418 = arith.xori %lt3A_415, %lt3A_417 : i1
      %and3A_419 = arith.andi %ne3A_418, %ne3A_413 : i1
      %add3A_420 = arith.addi %rem3A_411, %select_n3A_410 : i32
      %select_n3A_421 = arith.select %and3A_419, %add3A_420, %rem3A_411 : i32
      %dma_start3A_422 = arith.constant 0 : i32
      %dma_start3A_423 = arith.constant 0 : i32
      %dma_start3A_424 = tpu.memref_slice %arg9[%select_n3A_292, %dma_start3A_422, %dma_start3A_423] : memref<2x128x128xf32, #tpu.memory_space<vmem>> -> memref<1x128x128xf32, #tpu.memory_space<vmem>>
      %dma_start3A_425 = tpu.memref_squeeze %dma_start3A_424 : memref<1x128x128xf32, #tpu.memory_space<vmem>> -> memref<128x128xf32, #tpu.memory_space<vmem>>
      %dma_start3A_426 = arith.constant 0 : i32
      %dma_start3A_427 = tpu.memref_slice %arg8[%select_n3A_421, %select_n3A_348, %dma_start3A_426] : memref<2x8x128xi32, #tpu.memory_space<vmem>> -> memref<1x1x128xi32, #tpu.memory_space<vmem>>
      %dma_start3A_428 = tpu.memref_squeeze %dma_start3A_427 : memref<1x1x128xi32, #tpu.memory_space<vmem>> -> memref<128xi32, #tpu.memory_space<vmem>>
      %dma_start3A_429 = arith.constant 0 : i32
      %dma_start3A_430 = arith.constant 0 : i32
      %dma_start3A_431 = tpu.memref_slice %arg10[%dma_start3A_429, %dma_start3A_430] : memref<10240x128xf32, #tpu.memory_space<vmem_shared>> -> memref<10240x128xf32, #tpu.memory_space<vmem_shared>>
      %dma_start3A_432 = tpu.memref_slice %arg12[%select_n3A_292] : memref<2x!tpu.dma_semaphore, #tpu.memory_space<semaphore_mem>> -> memref<1x!tpu.dma_semaphore, #tpu.memory_space<semaphore_mem>>
      %dma_start3A_433 = tpu.memref_squeeze %dma_start3A_432 : memref<1x!tpu.dma_semaphore, #tpu.memory_space<semaphore_mem>> -> memref<!tpu.dma_semaphore, #tpu.memory_space<semaphore_mem>>
      tpu.enqueue_indirect_dma source(%dma_start3A_425 : memref<128x128xf32, #tpu.memory_space<vmem>>) target(%dma_start3A_431 : memref<10240x128xf32, #tpu.memory_space<vmem_shared>>) offsets(%dma_start3A_428 : memref<128xi32, #tpu.memory_space<vmem>>) semaphore(%dma_start3A_433 : memref<!tpu.dma_semaphore, #tpu.memory_space<semaphore_mem>>) {add = true}
    }
    %gt3A_184 = arith.constant 0 : i32
    %gt3A_185 = arith.cmpi sgt, %select_n3A_10, %gt3A_184 : i32
    %convert_element_type3A_186 = arith.extui %gt3A_185 : i1 to i32
    %cond3A_187 = arith.constant 0 : i32
    %cond3A_188 = arith.cmpi ne, %convert_element_type3A_186, %cond3A_187 : i32
    scf.if %cond3A_188 {
      %sub3A_280 = arith.constant 1 : i32
      %sub3A_281 = arith.subi %select_n3A_10, %sub3A_280 : i32
      %jit3A_282 = arith.constant 2 : i32
      %eq3A_283 = arith.constant 0 : i32
      %eq3A_284 = arith.cmpi eq, %jit3A_282, %eq3A_283 : i32
      %jit3A_285 = arith.constant 1 : i32
      %select_n3A_286 = arith.select %eq3A_284, %jit3A_285, %jit3A_282 : i32
      %rem3A = arith.remsi %sub3A_281, %select_n3A_286 : i32
      %ne3A = arith.constant 0 : i32
      %ne3A_287 = arith.cmpi ne, %rem3A, %ne3A : i32
      %lt3A = arith.constant 0 : i32
      %lt3A_288 = arith.cmpi slt, %rem3A, %lt3A : i32
      %lt3A_289 = arith.constant 0 : i32
      %lt3A_290 = arith.cmpi slt, %select_n3A_286, %lt3A_289 : i32
      %ne3A_291 = arith.xori %lt3A_288, %lt3A_290 : i1
      %and3A = arith.andi %ne3A_291, %ne3A_287 : i1
      %add3A_292 = arith.addi %rem3A, %select_n3A_286 : i32
      %select_n3A_293 = arith.select %and3A, %add3A_292, %rem3A : i32
      %dma_wait3A_294 = arith.constant 0 : i32
      %dma_wait3A_295 = arith.constant 0 : i32
      %dma_wait3A_296 = arith.constant 0 : i32
      %dma_wait3A_297 = tpu.memref_slice %arg9[%dma_wait3A_294, %dma_wait3A_295, %dma_wait3A_296] : memref<2x128x128xf32, #tpu.memory_space<vmem>> -> memref<1x128x128xf32, #tpu.memory_space<vmem>>
      %dma_wait3A_298 = tpu.memref_squeeze %dma_wait3A_297 : memref<1x128x128xf32, #tpu.memory_space<vmem>> -> memref<128x128xf32, #tpu.memory_space<vmem>>
      %dma_wait3A_299 = arith.constant 0 : i32
      %dma_wait3A_300 = arith.constant 0 : i32
      %dma_wait3A_301 = tpu.memref_slice %arg10[%dma_wait3A_299, %dma_wait3A_300] : memref<10240x128xf32, #tpu.memory_space<vmem_shared>> -> memref<128x128xf32, #tpu.memory_space<vmem_shared>>
      %dma_wait3A_302 = tpu.memref_slice %arg12[%select_n3A_293] : memref<2x!tpu.dma_semaphore, #tpu.memory_space<semaphore_mem>> -> memref<1x!tpu.dma_semaphore, #tpu.memory_space<semaphore_mem>>
      %dma_wait3A_303 = tpu.memref_squeeze %dma_wait3A_302 : memref<1x!tpu.dma_semaphore, #tpu.memory_space<semaphore_mem>> -> memref<!tpu.dma_semaphore, #tpu.memory_space<semaphore_mem>>
      %dma_wait3A_304 = arith.constant 0 : i32
      %dma_wait3A_305 = arith.constant 0 : i32
      %dma_wait3A_306 = tpu.memref_slice %arg10[%dma_wait3A_304, %dma_wait3A_305] : memref<10240x128xf32, #tpu.memory_space<vmem_shared>> -> memref<128x128xf32, #tpu.memory_space<vmem_shared>>
      %dma_wait3A_307 = arith.constant 0 : i32
      %dma_wait3A_308 = arith.constant 0 : i32
      %dma_wait3A_309 = tpu.memref_slice %arg9[%dma_wait3A_294, %dma_wait3A_307, %dma_wait3A_308] : memref<2x128x128xf32, #tpu.memory_space<vmem>> -> memref<1x128x128xf32, #tpu.memory_space<vmem>>
      %dma_wait3A_310 = tpu.memref_squeeze %dma_wait3A_309 : memref<1x128x128xf32, #tpu.memory_space<vmem>> -> memref<128x128xf32, #tpu.memory_space<vmem>>
      tpu.wait_dma2 semaphore(%dma_wait3A_303 : memref<!tpu.dma_semaphore, #tpu.memory_space<semaphore_mem>>) src(%dma_wait3A_310 : memref<128x128xf32, #tpu.memory_space<vmem>>) dst(%dma_wait3A_306 : memref<128x128xf32, #tpu.memory_space<vmem_shared>>)
    } else {
    }
    %barrier3A_189 = arith.constant 0 : index
    tpu.barrier barrier_id(%barrier3A_189)
    %add3A_190 = arith.constant 0 : i32
    %add3A_191 = arith.addi %arg1, %add3A_190 : i32
    %mul3A_192 = arith.constant 128 : i32
    %mul3A_193 = arith.muli %add3A_191, %mul3A_192 : i32
    %mul3A_194 = arith.constant 128 : i32
    %mul3A_195 = arith.muli %add3A_191, %mul3A_194 : i32
    %dma_start3A_196 = arith.constant 0 : i32
    %dma_start3A_197 = tpu.memref_slice %arg6[%arg0, %mul3A_195, %dma_start3A_196] : memref<2x10240x128xf32, #tpu.memory_space<hbm>> -> memref<1x128x128xf32, #tpu.memory_space<hbm>>
    %dma_start3A_198 = tpu.memref_squeeze %dma_start3A_197 : memref<1x128x128xf32, #tpu.memory_space<hbm>> -> memref<128x128xf32, #tpu.memory_space<hbm>>
    %dma_start3A_199 = arith.constant 0 : i32
    %dma_start3A_200 = tpu.memref_slice %arg10[%mul3A_193, %dma_start3A_199] : memref<10240x128xf32, #tpu.memory_space<vmem_shared>> -> memref<128x128xf32, #tpu.memory_space<vmem_shared>>
    tpu.enqueue_dma source(%dma_start3A_200 : memref<128x128xf32, #tpu.memory_space<vmem_shared>>) target(%dma_start3A_198 : memref<128x128xf32, #tpu.memory_space<hbm>>) target_semaphore(%arg13 : memref<!tpu.dma_semaphore, #tpu.memory_space<semaphore_mem>>)
    %add3A_201 = arith.constant 16 : i32
    %add3A_202 = arith.addi %arg1, %add3A_201 : i32
    %mul3A_203 = arith.constant 128 : i32
    %mul3A_204 = arith.muli %add3A_202, %mul3A_203 : i32
    %mul3A_205 = arith.constant 128 : i32
    %mul3A_206 = arith.muli %add3A_202, %mul3A_205 : i32
    %dma_start3A_207 = arith.constant 0 : i32
    %dma_start3A_208 = tpu.memref_slice %arg6[%arg0, %mul3A_206, %dma_start3A_207] : memref<2x10240x128xf32, #tpu.memory_space<hbm>> -> memref<1x128x128xf32, #tpu.memory_space<hbm>>
    %dma_start3A_209 = tpu.memref_squeeze %dma_start3A_208 : memref<1x128x128xf32, #tpu.memory_space<hbm>> -> memref<128x128xf32, #tpu.memory_space<hbm>>
    %dma_start3A_210 = arith.constant 0 : i32
    %dma_start3A_211 = tpu.memref_slice %arg10[%mul3A_204, %dma_start3A_210] : memref<10240x128xf32, #tpu.memory_space<vmem_shared>> -> memref<128x128xf32, #tpu.memory_space<vmem_shared>>
    tpu.enqueue_dma source(%dma_start3A_211 : memref<128x128xf32, #tpu.memory_space<vmem_shared>>) target(%dma_start3A_209 : memref<128x128xf32, #tpu.memory_space<hbm>>) target_semaphore(%arg13 : memref<!tpu.dma_semaphore, #tpu.memory_space<semaphore_mem>>)
    %add3A_212 = arith.constant 32 : i32
    %add3A_213 = arith.addi %arg1, %add3A_212 : i32
    %mul3A_214 = arith.constant 128 : i32
    %mul3A_215 = arith.muli %add3A_213, %mul3A_214 : i32
    %mul3A_216 = arith.constant 128 : i32
    %mul3A_217 = arith.muli %add3A_213, %mul3A_216 : i32
    %dma_start3A_218 = arith.constant 0 : i32
    %dma_start3A_219 = tpu.memref_slice %arg6[%arg0, %mul3A_217, %dma_start3A_218] : memref<2x10240x128xf32, #tpu.memory_space<hbm>> -> memref<1x128x128xf32, #tpu.memory_space<hbm>>
    %dma_start3A_220 = tpu.memref_squeeze %dma_start3A_219 : memref<1x128x128xf32, #tpu.memory_space<hbm>> -> memref<128x128xf32, #tpu.memory_space<hbm>>
    %dma_start3A_221 = arith.constant 0 : i32
    %dma_start3A_222 = tpu.memref_slice %arg10[%mul3A_215, %dma_start3A_221] : memref<10240x128xf32, #tpu.memory_space<vmem_shared>> -> memref<128x128xf32, #tpu.memory_space<vmem_shared>>
    tpu.enqueue_dma source(%dma_start3A_222 : memref<128x128xf32, #tpu.memory_space<vmem_shared>>) target(%dma_start3A_220 : memref<128x128xf32, #tpu.memory_space<hbm>>) target_semaphore(%arg13 : memref<!tpu.dma_semaphore, #tpu.memory_space<semaphore_mem>>)
    %add3A_223 = arith.constant 48 : i32
    %add3A_224 = arith.addi %arg1, %add3A_223 : i32
    %mul3A_225 = arith.constant 128 : i32
    %mul3A_226 = arith.muli %add3A_224, %mul3A_225 : i32
    %mul3A_227 = arith.constant 128 : i32
    %mul3A_228 = arith.muli %add3A_224, %mul3A_227 : i32
    %dma_start3A_229 = arith.constant 0 : i32
    %dma_start3A_230 = tpu.memref_slice %arg6[%arg0, %mul3A_228, %dma_start3A_229] : memref<2x10240x128xf32, #tpu.memory_space<hbm>> -> memref<1x128x128xf32, #tpu.memory_space<hbm>>
    %dma_start3A_231 = tpu.memref_squeeze %dma_start3A_230 : memref<1x128x128xf32, #tpu.memory_space<hbm>> -> memref<128x128xf32, #tpu.memory_space<hbm>>
    %dma_start3A_232 = arith.constant 0 : i32
    %dma_start3A_233 = tpu.memref_slice %arg10[%mul3A_226, %dma_start3A_232] : memref<10240x128xf32, #tpu.memory_space<vmem_shared>> -> memref<128x128xf32, #tpu.memory_space<vmem_shared>>
    tpu.enqueue_dma source(%dma_start3A_233 : memref<128x128xf32, #tpu.memory_space<vmem_shared>>) target(%dma_start3A_231 : memref<128x128xf32, #tpu.memory_space<hbm>>) target_semaphore(%arg13 : memref<!tpu.dma_semaphore, #tpu.memory_space<semaphore_mem>>)
    %add3A_234 = arith.constant 64 : i32
    %add3A_235 = arith.addi %arg1, %add3A_234 : i32
    %mul3A_236 = arith.constant 128 : i32
    %mul3A_237 = arith.muli %add3A_235, %mul3A_236 : i32
    %mul3A_238 = arith.constant 128 : i32
    %mul3A_239 = arith.muli %add3A_235, %mul3A_238 : i32
    %dma_start3A_240 = arith.constant 0 : i32
    %dma_start3A_241 = tpu.memref_slice %arg6[%arg0, %mul3A_239, %dma_start3A_240] : memref<2x10240x128xf32, #tpu.memory_space<hbm>> -> memref<1x128x128xf32, #tpu.memory_space<hbm>>
    %dma_start3A_242 = tpu.memref_squeeze %dma_start3A_241 : memref<1x128x128xf32, #tpu.memory_space<hbm>> -> memref<128x128xf32, #tpu.memory_space<hbm>>
    %dma_start3A_243 = arith.constant 0 : i32
    %dma_start3A_244 = tpu.memref_slice %arg10[%mul3A_237, %dma_start3A_243] : memref<10240x128xf32, #tpu.memory_space<vmem_shared>> -> memref<128x128xf32, #tpu.memory_space<vmem_shared>>
    tpu.enqueue_dma source(%dma_start3A_244 : memref<128x128xf32, #tpu.memory_space<vmem_shared>>) target(%dma_start3A_242 : memref<128x128xf32, #tpu.memory_space<hbm>>) target_semaphore(%arg13 : memref<!tpu.dma_semaphore, #tpu.memory_space<semaphore_mem>>)
    %dma_wait3A_245 = arith.constant 0 : i32
    %dma_wait3A_246 = arith.constant 0 : i32
    %dma_wait3A_247 = tpu.memref_slice %arg6[%arg0, %dma_wait3A_245, %dma_wait3A_246] : memref<2x10240x128xf32, #tpu.memory_space<hbm>> -> memref<1x128x128xf32, #tpu.memory_space<hbm>>
    %dma_wait3A_248 = tpu.memref_squeeze %dma_wait3A_247 : memref<1x128x128xf32, #tpu.memory_space<hbm>> -> memref<128x128xf32, #tpu.memory_space<hbm>>
    %dma_wait3A_249 = arith.constant 0 : i32
    %dma_wait3A_250 = arith.constant 0 : i32
    %dma_wait3A_251 = tpu.memref_slice %arg10[%dma_wait3A_249, %dma_wait3A_250] : memref<10240x128xf32, #tpu.memory_space<vmem_shared>> -> memref<128x128xf32, #tpu.memory_space<vmem_shared>>
    tpu.wait_dma2 semaphore(%arg13 : memref<!tpu.dma_semaphore, #tpu.memory_space<semaphore_mem>>) src(%dma_wait3A_251 : memref<128x128xf32, #tpu.memory_space<vmem_shared>>) dst(%dma_wait3A_248 : memref<128x128xf32, #tpu.memory_space<hbm>>)
    %dma_wait3A_252 = arith.constant 0 : i32
    %dma_wait3A_253 = arith.constant 0 : i32
    %dma_wait3A_254 = tpu.memref_slice %arg6[%arg0, %dma_wait3A_252, %dma_wait3A_253] : memref<2x10240x128xf32, #tpu.memory_space<hbm>> -> memref<1x128x128xf32, #tpu.memory_space<hbm>>
    %dma_wait3A_255 = tpu.memref_squeeze %dma_wait3A_254 : memref<1x128x128xf32, #tpu.memory_space<hbm>> -> memref<128x128xf32, #tpu.memory_space<hbm>>
    %dma_wait3A_256 = arith.constant 0 : i32
    %dma_wait3A_257 = arith.constant 0 : i32
    %dma_wait3A_258 = tpu.memref_slice %arg10[%dma_wait3A_256, %dma_wait3A_257] : memref<10240x128xf32, #tpu.memory_space<vmem_shared>> -> memref<128x128xf32, #tpu.memory_space<vmem_shared>>
    tpu.wait_dma2 semaphore(%arg13 : memref<!tpu.dma_semaphore, #tpu.memory_space<semaphore_mem>>) src(%dma_wait3A_258 : memref<128x128xf32, #tpu.memory_space<vmem_shared>>) dst(%dma_wait3A_255 : memref<128x128xf32, #tpu.memory_space<hbm>>)
    %dma_wait3A_259 = arith.constant 0 : i32
    %dma_wait3A_260 = arith.constant 0 : i32
    %dma_wait3A_261 = tpu.memref_slice %arg6[%arg0, %dma_wait3A_259, %dma_wait3A_260] : memref<2x10240x128xf32, #tpu.memory_space<hbm>> -> memref<1x128x128xf32, #tpu.memory_space<hbm>>
    %dma_wait3A_262 = tpu.memref_squeeze %dma_wait3A_261 : memref<1x128x128xf32, #tpu.memory_space<hbm>> -> memref<128x128xf32, #tpu.memory_space<hbm>>
    %dma_wait3A_263 = arith.constant 0 : i32
    %dma_wait3A_264 = arith.constant 0 : i32
    %dma_wait3A_265 = tpu.memref_slice %arg10[%dma_wait3A_263, %dma_wait3A_264] : memref<10240x128xf32, #tpu.memory_space<vmem_shared>> -> memref<128x128xf32, #tpu.memory_space<vmem_shared>>
    tpu.wait_dma2 semaphore(%arg13 : memref<!tpu.dma_semaphore, #tpu.memory_space<semaphore_mem>>) src(%dma_wait3A_265 : memref<128x128xf32, #tpu.memory_space<vmem_shared>>) dst(%dma_wait3A_262 : memref<128x128xf32, #tpu.memory_space<hbm>>)
    %dma_wait3A_266 = arith.constant 0 : i32
    %dma_wait3A_267 = arith.constant 0 : i32
    %dma_wait3A_268 = tpu.memref_slice %arg6[%arg0, %dma_wait3A_266, %dma_wait3A_267] : memref<2x10240x128xf32, #tpu.memory_space<hbm>> -> memref<1x128x128xf32, #tpu.memory_space<hbm>>
    %dma_wait3A_269 = tpu.memref_squeeze %dma_wait3A_268 : memref<1x128x128xf32, #tpu.memory_space<hbm>> -> memref<128x128xf32, #tpu.memory_space<hbm>>
    %dma_wait3A_270 = arith.constant 0 : i32
    %dma_wait3A_271 = arith.constant 0 : i32
    %dma_wait3A_272 = tpu.memref_slice %arg10[%dma_wait3A_270, %dma_wait3A_271] : memref<10240x128xf32, #tpu.memory_space<vmem_shared>> -> memref<128x128xf32, #tpu.memory_space<vmem_shared>>
    tpu.wait_dma2 semaphore(%arg13 : memref<!tpu.dma_semaphore, #tpu.memory_space<semaphore_mem>>) src(%dma_wait3A_272 : memref<128x128xf32, #tpu.memory_space<vmem_shared>>) dst(%dma_wait3A_269 : memref<128x128xf32, #tpu.memory_space<hbm>>)
    %dma_wait3A_273 = arith.constant 0 : i32
    %dma_wait3A_274 = arith.constant 0 : i32
    %dma_wait3A_275 = tpu.memref_slice %arg6[%arg0, %dma_wait3A_273, %dma_wait3A_274] : memref<2x10240x128xf32, #tpu.memory_space<hbm>> -> memref<1x128x128xf32, #tpu.memory_space<hbm>>
    %dma_wait3A_276 = tpu.memref_squeeze %dma_wait3A_275 : memref<1x128x128xf32, #tpu.memory_space<hbm>> -> memref<128x128xf32, #tpu.memory_space<hbm>>
    %dma_wait3A_277 = arith.constant 0 : i32
    %dma_wait3A_278 = arith.constant 0 : i32
    %dma_wait3A_279 = tpu.memref_slice %arg10[%dma_wait3A_277, %dma_wait3A_278] : memref<10240x128xf32, #tpu.memory_space<vmem_shared>> -> memref<128x128xf32, #tpu.memory_space<vmem_shared>>
    tpu.wait_dma2 semaphore(%arg13 : memref<!tpu.dma_semaphore, #tpu.memory_space<semaphore_mem>>) src(%dma_wait3A_279 : memref<128x128xf32, #tpu.memory_space<vmem_shared>>) dst(%dma_wait3A_276 : memref<128x128xf32, #tpu.memory_space<hbm>>)
    return
  }
}

module attributes {stable_mosaic.version = 14 : i64} {
  func.func @_lin_body(%arg0: i32, %arg1: memref<1024x128xf32, #tpu.memory_space<vmem>>, %arg2: memref<128x128xf32, #tpu.memory_space<vmem>>, %arg3: memref<2x1024xf32, #tpu.memory_space<vmem>>, %arg4: memref<1024x128xf32, #tpu.memory_space<vmem>>) attributes {dimension_semantics = [#tpu.dimension_semantics<arbitrary>], iteration_bounds = array<i64: 10>, scalar_prefetch = 0 : i64, scratch_operands = 0 : i64, tpu.core_type = #tpu.core_type<tc>, window_params = [{transform_indices = @transform_0, window_bounds = array<i64: 1024, 128>}, {pipeline_mode = #tpu.pipeline_mode<synchronous>, transform_indices = @transform_1, window_bounds = array<i64: 128, 128>}, {transform_indices = @transform_2, window_bounds = array<i64: 2, 1024>}, {transform_indices = @transform_3, window_bounds = array<i64: 1024, 128>}]} {
    %get3A = arith.constant 0 : index
    %get3A_0 = arith.constant 0 : index
    %get3A_1 = vector.load %arg3[%get3A, %get3A_0] : memref<2x1024xf32, #tpu.memory_space<vmem>>, vector<1x1024xf32>
    %get3A_2 = vector.shape_cast %get3A_1 : vector<1x1024xf32> to vector<1024xf32>
    %get3A_3 = arith.constant 1 : index
    %get3A_4 = arith.constant 0 : index
    %get3A_5 = vector.load %arg3[%get3A_3, %get3A_4] : memref<2x1024xf32, #tpu.memory_space<vmem>>, vector<1x1024xf32>
    %get3A_6 = vector.shape_cast %get3A_5 : vector<1x1024xf32> to vector<1024xf32>
    %add3A = arith.addf %get3A_2, %get3A_6 : vector<1024xf32>
    %add3A_7 = arith.constant 1.000000e+00 : f32
    %add3A_8 = vector.broadcast %add3A_7 : f32 to vector<1024xf32>
    %add3A_9 = arith.addf %add3A, %add3A_8 : vector<1024xf32>
    %rsqrt3A = math.rsqrt %add3A_9 : vector<1024xf32>
    %get3A_10 = arith.constant 0 : index
    %get3A_11 = arith.constant 0 : index
    %get3A_12 = vector.load %arg1[%get3A_10, %get3A_11] : memref<1024x128xf32, #tpu.memory_space<vmem>>, vector<1024x128xf32>
    %get3A_13 = arith.constant 0 : index
    %get3A_14 = arith.constant 0 : index
    %get3A_15 = vector.load %arg2[%get3A_13, %get3A_14] : memref<128x128xf32, #tpu.memory_space<vmem>>, vector<128x128xf32>
    %dot_general3A = arith.constant dense<0.000000e+00> : vector<1024x128xf32>
    %dot_general3A_16 = tpu.matmul %get3A_12, %get3A_15, %dot_general3A {dimension_numbers = #tpu.dot_dimension_numbers<[1], [1], [0], [0], [0, 0, 1, 0], [], []>, transpose_lhs_hint = false} : vector<1024x128xf32>, vector<128x128xf32>, vector<1024x128xf32> -> vector<1024x128xf32>
    %broadcast_in_dim3A = vector.shape_cast %rsqrt3A : vector<1024xf32> to vector<1024x1xf32>
    %mul3A = vector.broadcast %broadcast_in_dim3A : vector<1024x1xf32> to vector<1024x128xf32>
    %mul3A_17 = arith.mulf %dot_general3A_16, %mul3A : vector<1024x128xf32>
    %swap3A = arith.constant 0 : index
    %swap3A_18 = arith.constant 0 : index
    %swap3A_19 = vector.load %arg4[%swap3A, %swap3A_18] : memref<1024x128xf32, #tpu.memory_space<vmem>>, vector<1024x128xf32>
    tpu.vector_store %arg4[%swap3A, %swap3A_18], %mul3A_17 {strides = array<i32>} : memref<1024x128xf32, #tpu.memory_space<vmem>>, vector<1024x128xf32>,
    return
  }
  func.func @transform_0(%arg0: i32) -> (i32, i32) {
    %c0_i32 = arith.constant 0 : i32
    %c0_i32_0 = arith.constant 0 : i32
    return %arg0, %c0_i32 : i32, i32
  }
  func.func @transform_1(%arg0: i32) -> (i32, i32) {
    %c0_i32 = arith.constant 0 : i32
    %c0_i32_0 = arith.constant 0 : i32
    %c0_i32_1 = arith.constant 0 : i32
    return %c0_i32, %c0_i32_0 : i32, i32
  }
  func.func @transform_2(%arg0: i32) -> (i32, i32) {
    %c0_i32 = arith.constant 0 : i32
    %c0_i32_0 = arith.constant 0 : i32
    return %c0_i32, %arg0 : i32, i32
  }
  func.func @transform_3(%arg0: i32) -> (i32, i32) {
    %c0_i32 = arith.constant 0 : i32
    %c0_i32_0 = arith.constant 0 : i32
    return %arg0, %c0_i32 : i32, i32
  }
}

module attributes {stable_mosaic.version = 14 : i64} {
  func.func @_final_body(%arg0: i32, %arg1: memref<2x1024x128xf32, #tpu.memory_space<vmem>>, %arg2: memref<1024x128xf32, #tpu.memory_space<vmem>>, %arg3: memref<2x1024xf32, #tpu.memory_space<vmem>>, %arg4: memref<1x128xf32, #tpu.memory_space<vmem>>, %arg5: memref<1024x128xf32, #tpu.memory_space<vmem>>) attributes {dimension_semantics = [#tpu.dimension_semantics<arbitrary>], iteration_bounds = array<i64: 10>, scalar_prefetch = 0 : i64, scratch_operands = 0 : i64, tpu.core_type = #tpu.core_type<tc>, window_params = [{transform_indices = @transform_0, window_bounds = array<i64: 2, 1024, 128>}, {transform_indices = @transform_1, window_bounds = array<i64: 1024, 128>}, {transform_indices = @transform_2, window_bounds = array<i64: 2, 1024>}, {pipeline_mode = #tpu.pipeline_mode<synchronous>, transform_indices = @transform_3, window_bounds = array<i64: 1, 128>}, {transform_indices = @transform_4, window_bounds = array<i64: 1024, 128>}]} {
    %get3A = arith.constant 0 : index
    %get3A_0 = arith.constant 0 : index
    %get3A_1 = vector.load %arg3[%get3A, %get3A_0] : memref<2x1024xf32, #tpu.memory_space<vmem>>, vector<1x1024xf32>
    %get3A_2 = vector.shape_cast %get3A_1 : vector<1x1024xf32> to vector<1024xf32>
    %get3A_3 = arith.constant 1 : index
    %get3A_4 = arith.constant 0 : index
    %get3A_5 = vector.load %arg3[%get3A_3, %get3A_4] : memref<2x1024xf32, #tpu.memory_space<vmem>>, vector<1x1024xf32>
    %get3A_6 = vector.shape_cast %get3A_5 : vector<1x1024xf32> to vector<1024xf32>
    %add3A = arith.addf %get3A_2, %get3A_6 : vector<1024xf32>
    %add3A_7 = arith.constant 1.000000e+00 : f32
    %add3A_8 = vector.broadcast %add3A_7 : f32 to vector<1024xf32>
    %add3A_9 = arith.addf %add3A, %add3A_8 : vector<1024xf32>
    %rsqrt3A = math.rsqrt %add3A_9 : vector<1024xf32>
    %get3A_10 = arith.constant 0 : index
    %get3A_11 = arith.constant 0 : index
    %get3A_12 = arith.constant 0 : index
    %get3A_13 = vector.load %arg1[%get3A_10, %get3A_11, %get3A_12] : memref<2x1024x128xf32, #tpu.memory_space<vmem>>, vector<1x1024x128xf32>
    %get3A_14 = vector.shape_cast %get3A_13 : vector<1x1024x128xf32> to vector<1024x128xf32>
    %get3A_15 = arith.constant 1 : index
    %get3A_16 = arith.constant 0 : index
    %get3A_17 = arith.constant 0 : index
    %get3A_18 = vector.load %arg1[%get3A_15, %get3A_16, %get3A_17] : memref<2x1024x128xf32, #tpu.memory_space<vmem>>, vector<1x1024x128xf32>
    %get3A_19 = vector.shape_cast %get3A_18 : vector<1x1024x128xf32> to vector<1024x128xf32>
    %add3A_20 = arith.addf %get3A_14, %get3A_19 : vector<1024x128xf32>
    %get3A_21 = arith.constant 0 : index
    %get3A_22 = arith.constant 0 : index
    %get3A_23 = vector.load %arg2[%get3A_21, %get3A_22] : memref<1024x128xf32, #tpu.memory_space<vmem>>, vector<1024x128xf32>
    %add3A_24 = arith.addf %add3A_20, %get3A_23 : vector<1024x128xf32>
    %broadcast_in_dim3A = vector.shape_cast %rsqrt3A : vector<1024xf32> to vector<1024x1xf32>
    %mul3A = vector.broadcast %broadcast_in_dim3A : vector<1024x1xf32> to vector<1024x128xf32>
    %mul3A_25 = arith.mulf %add3A_24, %mul3A : vector<1024x128xf32>
    %get3A_26 = arith.constant 0 : index
    %get3A_27 = arith.constant 0 : index
    %get3A_28 = vector.load %arg4[%get3A_26, %get3A_27] : memref<1x128xf32, #tpu.memory_space<vmem>>, vector<1x128xf32>
    %add3A_29 = vector.broadcast %get3A_28 : vector<1x128xf32> to vector<1024x128xf32>
    %add3A_30 = arith.addf %mul3A_25, %add3A_29 : vector<1024x128xf32>
    %mul3A_31 = arith.constant 5.000000e-01 : f32
    %mul3A_32 = vector.broadcast %mul3A_31 : f32 to vector<1024x128xf32>
    %mul3A_33 = arith.mulf %mul3A_32, %add3A_30 : vector<1024x128xf32>
    %mul3A_34 = arith.constant 0.707106769 : f32
    %mul3A_35 = vector.broadcast %mul3A_34 : f32 to vector<1024x128xf32>
    %mul3A_36 = arith.mulf %add3A_30, %mul3A_35 : vector<1024x128xf32>
    %erf3A = math.erf %mul3A_36 : vector<1024x128xf32>
    %add3A_37 = arith.constant 1.000000e+00 : f32
    %add3A_38 = vector.broadcast %add3A_37 : f32 to vector<1024x128xf32>
    %add3A_39 = arith.addf %add3A_38, %erf3A : vector<1024x128xf32>
    %mul3A_40 = arith.mulf %mul3A_33, %add3A_39 : vector<1024x128xf32>
    %swap3A = arith.constant 0 : index
    %swap3A_41 = arith.constant 0 : index
    %swap3A_42 = vector.load %arg5[%swap3A, %swap3A_41] : memref<1024x128xf32, #tpu.memory_space<vmem>>, vector<1024x128xf32>
    tpu.vector_store %arg5[%swap3A, %swap3A_41], %mul3A_40 {strides = array<i32>} : memref<1024x128xf32, #tpu.memory_space<vmem>>, vector<1024x128xf32>,
    return
  }
  func.func @transform_0(%arg0: i32) -> (i32, i32, i32) {
    %c0_i32 = arith.constant 0 : i32
    %c0_i32_0 = arith.constant 0 : i32
    %c0_i32_1 = arith.constant 0 : i32
    return %c0_i32, %arg0, %c0_i32_0 : i32, i32, i32
  }
  func.func @transform_1(%arg0: i32) -> (i32, i32) {
    %c0_i32 = arith.constant 0 : i32
    %c0_i32_0 = arith.constant 0 : i32
    return %arg0, %c0_i32 : i32, i32
  }
  func.func @transform_2(%arg0: i32) -> (i32, i32) {
    %c0_i32 = arith.constant 0 : i32
    %c0_i32_0 = arith.constant 0 : i32
    return %c0_i32, %arg0 : i32, i32
  }
  func.func @transform_3(%arg0: i32) -> (i32, i32) {
    %c0_i32 = arith.constant 0 : i32
    %c0_i32_0 = arith.constant 0 : i32
    %c0_i32_1 = arith.constant 0 : i32
    return %c0_i32, %c0_i32_0 : i32, i32
  }
  func.func @transform_4(%arg0: i32) -> (i32, i32) {
    %c0_i32 = arith.constant 0 : i32
    %c0_i32_0 = arith.constant 0 : i32
    return %arg0, %c0_i32 : i32, i32
  }
}

</mosaic_0001>

<sc_bundles>
// kernel: kernel.6.cloned.1.call-start
scs
__scs_entry_jumppad:
0x0: {  	(pc) =	sbr.rel $0x88, $3  }
0x1: {  	(tag) =	ssettag $0x0;
	lr =	simm.s32 $0x1  }
0x2: {  	[smem:$0x3F9D] =	sst lr;
	_ =	strace $0xD0000000  }
0x3: {  	_ = 	snop  }
0x4: {  	_ = 	snop  }
0x5: {  	_ = 	snop  }
0x6: {  	_ = 	snop  }
0x7: {  	_ = 	snop  }
__scs_overlays_trampoline_lowered:
0x8: {  	[smem:$0x3FAC] =	sst s0  }
0x9: {  	[smem:$0x3FAD] =	sst s1  }
0xa: {  	[smem:$0x3FAE] =	sst s2  }
0xb: {  	[smem:$0x3FAF] =	sst s3  }
0xc: {  	[smem:$0x3FB0] =	sst s4  }
0xd: {  	[smem:$0x3FB1] =	sst s5  }
0xe: {  	[smem:$0x3FB2] =	sst s6  }
0xf: {  	[smem:$0x3FB3] =	sst s7  }
0x10: {  	[smem:$0x3FB4] =	sst s8  }
0x11: {  	[smem:$0x3FB5] =	sst s9;
	s0 =	simm.s32 @!p0 $0x0  }
0x12: {  	s1 =	sld [smem:$0x3F9B];
	s0 =	simm.s32 @p0 $0x1  }
0x13: {  	[smem:$0x3FB6] =	sst s0;
	s0 =	simm.s32 @!p1 $0x0  }
0x14: {  	s2 =	sld [smem:$0x3F9A];
	s0 =	simm.s32 @p1 $0x1  }
0x15: {  	[smem:$0x3FB7] =	sst s0;
	s0 =	simm.s32 @!p2 $0x0  }
0x16: {  	s3 =	sld [smem:$0x3FDB];
	s0 =	simm.s32 @p2 $0x1  }
0x17: {  	s4 =	simm.s32 $0x1BF5;
	[smem:$0x3FB9] =	sst s0  }
0x18: {  	s0 =	sld [smem:$0x3F9C];
	_ =	swait.ge [sflag:s4], $0x0  }
0x19: {  	s7 =	sld [smem:$0x3F9D]  }
0x1a: {  	s8 =	sadd.s32 $0xFFFFE003, lr  }
0x1b: {  	s9 =	sadd.s32 $0xFFFFFEF7, lr;
	s5 =	simm.s32 $0xFFFFFFFF;
	p2 =	slt.u32 s8, $0xFFFFF086  }
0x1c: {  	p1 =	slt.u32 s9, $0xF7A;
	s5 =	simm.s32 @!p2 $0x0  }
0x1d: {  	s5 =	simm.s32 @p1 $0x1;
	p0 =	seq.s32 s7, s2  }
0x1e: {  	s7 =	smul.u32 @!p0 $0xF7A, s2;
	p2 =	seq.s32 @!p0 s5, $0x0  }
0x1f: {  	s9 =	smul.u32 $0xF7A, s1;
	s8 =	simm.s32 @!p0 $0x1BF5;
	p2 =	por !p2, p0  }
0x20: {  	[sflag:s8] =	ssyncset.s32 @!p0 $0xFFFFF086;
	s6 =	sadd.s32 @!p0 s3, s7;
	s7 =	simm.s32 @!p0 $0x108  }
0x21: {  	s3 =	sadd.s32 s3, s9;
	s6 =	sadd.s32 @!p0 $0x88, s6;
	s7 =	simm.s32 @p2 $0x1082  }
0x22: {  	[simem:s7], [sflag:s8] =	dma.local @!p0 [hbm:s6], $0xF7A  }
0x23: {  	s9 =	sor.u32 $0xD0000000, s2;
	s6 =	simm.s32 $0x108;
	_ =	swait.ge @!p0 [sflag:s8], $0x0  }
0x24: {  	s3 =	sadd.s32 $0x88, s3;
	s6 =	simm.s32 @!p1 $0x1082;
	[sflag:s4] =	ssyncset.s32 $0xFFFFF086  }
0x25: {  	[simem:s6], [sflag:s4] =	dma.local [hbm:s3], $0xF7A  }
0x26: {  	[smem:$0x3F9D] =	sst s1;
	(tag) =	ssettag s2;
	_ =	strace s9  }
0x27: {  	s1 =	sld [smem:$0x3FAD]  }
0x28: {  	s2 =	sld [smem:$0x3FAE]  }
0x29: {  	s4 =	sld [smem:$0x3FB0]  }
0x2a: {  	p0 =	seq.s32 s5, $0x0;
	s5 =	sld [smem:$0x3FB1]  }
0x2b: {  	s6 =	sld [smem:$0x3FB2]  }
0x2c: {  	s7 =	sld [smem:$0x3FB3]  }
0x2d: {  	s3 =	simm.s32 $0x108;
	s8 =	sld [smem:$0x3FB4]  }
0x2e: {  	s3 =	simm.s32 @!p0 $0x1082;
	s9 =	sld [smem:$0x3FB5]  }
0x2f: {  	lr =	sadd.s32 s0, s3;
	s0 =	sld [smem:$0x3FAC]  }
0x30: {  	s3 =	sld [smem:$0x3FAF]  }
0x31: {  	[smem:$0x3FB8] =	sst s10  }
0x32: {  	s10 =	sld [smem:$0x3FB6];
	_ =	sdelay $0x3  }
0x33: {  	p0 =	seq.s32 s10, $0x1;
	s10 =	sld [smem:$0x3FB8];
	_ =	sdelay $0x3  }
0x34: {  	[smem:$0x3FB8] =	sst s10  }
0x35: {  	s10 =	sld [smem:$0x3FB7];
	_ =	sdelay $0x3  }
0x36: {  	p1 =	seq.s32 s10, $0x1;
	s10 =	sld [smem:$0x3FB8];
	_ =	sdelay $0x3  }
0x37: {  	[smem:$0x3FB8] =	sst s10  }
0x38: {  	s10 =	sld [smem:$0x3FB9]  }
0x39: {  	_ = 	snop;
	(pc) =	sbr.ind lr, $3  }
0x3a: {  	_ = 	snop  }
0x3b: {  	_ = 	snop  }
0x3c: {  	p2 =	seq.s32 s10, $0x1;
	s10 =	sld [smem:$0x3FB8]  }
0x3d: {  	_ =	shalt  }
0x3e: {  	_ =	shalt  }
0x3f: {  	_ =	shalt  }
0x40: {  	_ =	shalt  }
0x41: {  	_ =	shalt  }
0x42: {  	_ =	shalt  }
0x43: {  	_ =	shalt  }
0x44: {  	_ =	shalt  }
0x45: {  	_ =	shalt  }
0x46: {  	_ =	shalt  }
0x47: {  	_ =	shalt  }
0x48: {  	_ =	shalt  }
0x49: {  	_ =	shalt  }
0x4a: {  	_ =	shalt  }
0x4b: {  	_ =	shalt  }
0x4c: {  	_ =	shalt  }
0x4d: {  	_ =	shalt  }
0x4e: {  	_ =	shalt  }
0x4f: {  	_ =	shalt  }
0x50: {  	_ =	shalt  }
0x51: {  	_ =	shalt  }
0x52: {  	_ =	shalt  }
0x53: {  	_ =	shalt  }
0x54: {  	_ =	shalt  }
0x55: {  	_ =	shalt  }
0x56: {  	_ =	shalt  }
0x57: {  	_ =	shalt  }
0x58: {  	_ =	shalt  }
0x59: {  	_ =	shalt  }
0x5a: {  	_ =	shalt  }
0x5b: {  	_ =	shalt  }
0x5c: {  	_ =	shalt  }
0x5d: {  	_ =	shalt  }
0x5e: {  	_ =	shalt  }
0x5f: {  	_ =	shalt  }
0x60: {  	_ =	shalt  }
0x61: {  	_ =	shalt  }
0x62: {  	_ =	shalt  }
0x63: {  	_ =	shalt  }
0x64: {  	_ =	shalt  }
0x65: {  	_ =	shalt  }
0x66: {  	_ =	shalt  }
0x67: {  	_ =	shalt  }
0x68: {  	_ =	shalt  }
0x69: {  	_ =	shalt  }
0x6a: {  	_ =	shalt  }
0x6b: {  	_ =	shalt  }
0x6c: {  	_ =	shalt  }
0x6d: {  	_ =	shalt  }
0x6e: {  	_ =	shalt  }
0x6f: {  	_ =	shalt  }
0x70: {  	_ =	shalt  }
0x71: {  	_ =	shalt  }
0x72: {  	_ =	shalt  }
0x73: {  	_ =	shalt  }
0x74: {  	_ =	shalt  }
0x75: {  	_ =	shalt  }
0x76: {  	_ =	shalt  }
0x77: {  	_ =	shalt  }
0x78: {  	_ =	shalt  }
0x79: {  	_ =	shalt  }
0x7a: {  	_ =	shalt  }
0x7b: {  	_ =	shalt  }
0x7c: {  	_ =	shalt  }
0x7d: {  	_ =	shalt  }
0x7e: {  	_ =	shalt  }
0x7f: {  	_ =	shalt  }
0x80: {  	_ =	shalt  }
0x81: {  	_ =	shalt  }
0x82: {  	_ =	shalt  }
0x83: {  	_ =	shalt  }
0x84: {  	_ =	shalt  }
0x85: {  	_ =	shalt  }
0x86: {  	_ =	shalt  }
0x87: {  	_ =	shalt  }
.Lfunc_end0:
.L_simem_size_0:
called_computation_lowered:
.L_overlay_start_0:
0x88: {  	s2 =	sld [smem:$0x3FD9]  }
0x89: {  	s3 =	sld [smem:$0x3FFE];
	_ =	sdelay $0x1  }
0x8a: {  	s1 =	srdreg.scid  }
0x8b: {  	s0 =	sand.u32 $0x1, s1  }
0x8c: {  	s17 =	sshll.u32 s0, $0xA;
	s2 =	sadd.s32 s3, s2  }
0x8d: {  	s2 =	sadd.s32 s2, s17  }
0x8e: {  	[smem:$0x3FC4] =	sst s2  }
0x8f: {  	_ = 	snop  }
0x90: {  	s2 =	sld [smem:$0x3FD0];
	(tm) =	ssettm $0x1  }
0x91: {  	s18 =	sld [smem:$0x3FFB];
	_ =	sdelay $0x3  }
0x92: {  	_ =	strace s18  }
0x93: {  	s3 =	sld [smem:$0x3FFC];
	_ =	sdelay $0x3  }
0x94: {  	_ =	strace s3  }
0x95: {  	s3 =	sld [smem:$0x3FFD];
	_ =	sdelay $0x3  }
0x96: {  	_ =	strace s3  }
0x97: {  	_ =	strace $0x8FFFFFFF  }
0x98: {  	s19 =	sld [smem:$0x3FDB];
	_ =	sdelay $0x1  }
0x99: {  	s4 =	simm.s32 $_scs_section_size  }
0x9a: {  	s5 =	simm.s32 $_size__tile_overlayer_lowered;
	s6 =	simm.s32 $_tile_overlayer_lowered  }
0x9b: {  	s22 =	simm.s32 $0x1BFF;
	s21 =	sshll.u32 s6, $0x1;
	s3 =	sadd.s32 s4, s19  }
0x9c: {  	s7 =	simm.s32 $0x0;
	s20 =	sshll.u32 s5, $0x1;
	s5 =	sadd.s32 s21, s3  }
0x9d: {  	[timem:s7], [sflag:s22] =	dma.local [hbm:s5], s20  }
0x9e: {  	_ =	swait.ge [sflag:s22], s20  }
0x9f: {  	s4 =	ssub.s32 $0x0, s20;
	[sflag:s22] =	ssyncset.done $0x0  }
0xa0: {  	[sflag:s22] =	ssyncadd.s32 s4;
	_ =	sdelay $0x1  }
0xa1: {  	s23 =	simm.s32 $0x1B8B  }
0xa2: {  	_ =	swait.ge [sflag:s23], $0x1  }
0xa3: {  	[sflag:s23] =	ssyncset.done $0x0  }
0xa4: {  	s25 =	simm.s32 $0x1B8E;
	s24 =	sld [smem:$0x3FFE];
	[sflag:s23] =	ssyncadd.s32 $0xFFFFFFFF  }
0xa5: {  	s26 =	simm.s32 $execute0_lowered;
	[smem:$0x3FD2] =	sst s25  }
0xa6: {  	s5 =	sshll.u32 s26, $0x1;
	_ =	strace $0x80000046;
	[dreg:$0x1] =	wrdreg $0xFFFFFFFF  }
0xa7: {  	s28 =	simm.s32 $_size_execute0_lowered;
	s3 =	sadd.s32 s3, s5;
	[dreg:$0x0] =	wrdreg $0x0  }
0xa8: {  	s5 =	sshll.u32 s28, $0x1;
	[dreg:$0x2] =	wrdreg s3  }
0xa9: {  	[dreg:$0x3] =	wrdreg s5  }
0xaa: {  	[dreg:$0x4] =	wrdreg $0xC0  }
0xab: {  	_ =	task [dreg:s7], $0x5FFFF  }
0xac: {  	[dreg:$0x1] =	wrdreg $0xFFFFFFFF  }
0xad: {  	[dreg:$0x0] =	wrdreg $0x60  }
0xae: {  	[dreg:$0x2] =	wrdreg s2  }
0xaf: {  	[dreg:$0x3] =	wrdreg s24  }
0xb0: {  	[dreg:$0x4] =	wrdreg $0x2B000  }
0xb1: {  	[dreg:$0x5] =	wrdreg $0x9  }
0xb2: {  	_ =	task.clear_ibuf [dreg:s7], $0x6FFFF;
	_ =	strace $0x90000046  }
0xb3: {  	s29 =	simm.s32 $0x9;
	_ =	strace $0x80000048  }
0xb4: {  	_ =	swait.ge [sflag:s29], $0x1  }
0xb5: {  	[sflag:s29] =	ssyncadd.s32 $0xFFFFFFFF  }
0xb6: {  	_ =	strace $0x90000048  }
0xb7: {  	_ =	sfence  }
0xb8: {  	s30 =	sld [smem:$0x0];
	_ =	sdelay $0x2  }
0xb9: {  	s31 =	sshll.u32 s1, $0xD;
	s1 =	sshrl.u32 s1, $0x2  }
0xba: {  	s3 =	sand.u32 $0x4000, s31;
	s1 =	sadd.s32 s1, s30  }
0xbb: {  	s0 =	sor.u32 s3, s0;
	s1 =	sshll.u32 s1, $0x11  }
0xbc: {  	s0 =	sor.u32 s1, s0  }
0xbd: {  	s0 =	sadd.s32 $0x8F2B, s0  }
0xbe: {  	[sflag:s0] =	ssyncadd.remote.s32 $0x1  }
0xbf: {  	_ =	sfence.sel $0xFFFF  }
0xc0: {  	[dreg:$0x0] =	wrdreg $0xFFFFFFFF;
	(pc) =	sbr.abs _section_cstart, $3  }
0xc1: {  	[dreg:$0x1] =	wrdreg $0xFFFFFFFF  }
0xc2: {  	_ =	task.clear_ibuf [dreg:s7], $0x2FFFF;
	_ =	strace $0x9FFFFFFF  }
0xc3: {  	(tm) =	ssettm $0x7FFFFFFF  }
tec
execute0_lowered:
.L_overlay_start_1:
0x0: {  	(tag) =	ssettag $0x1  }
0x1: {  	s7 =	rddreg [dreg:$0x0]  }
0x2: {  	s8 =	rddreg [dreg:$0x1]  }
0x3: {  	s2 =	rddreg [dreg:$0x2]  }
0x4: {  	s3 =	srdreg.scid;
	s1 =	stileid.u32  }
0x5: {  	s0 =	rddreg [dreg:$0x3];
	s13 =	simm.s32 $0x80;
	s14 =	simm.s32 $0x2800  }
0x6: {  	s15 =	simm.s32 $0x1;
	s16 =	simm.s32 $0x100;
	s17 =	simm.s32 $0x0  }
0x7: {  	s4 =	sand.u32 $0x1, s3;
	s5 =	smul.u32 $0x500, s1;
	s3 =	simm.s32 $0x0  }
0x8: {  	s9 =	sshll.u32 s1, $0x1;
	s31 =	smul.u32 $0xA00, s1;
	s6 =	sshll.u32 s4, $0x7  }
0x9: {  	[smem:$0x7FF] =	sst s3;
	s11 =	sor.u32 s4, s9;
	s4 =	ssub.s32 $0x2, s4  }
0xa: {  	s5 =	sor.u32 s6, s5;
	_ =	strace $0x80000047;
	s6 =	smul.u32 $0xFFFFFFB0, s11  }
0xb: {  	s10 =	sshrl.u32 s4, $0x1;
	s12 =	smul.u32 $0x500, s11;
	s5 =	sshrl.u32 s5, $0x3  }
0xc: {  	s10 =	ssub.s32 s4, s10;
	s30 =	sadd.s32 s5, s8;
	p0 =	slt.s32 s6, $0xFFFFF68C  }
0xd: {  	s5 =	sshrl.u32 s31, $0x2;
	s8 =	sadd.s32 $0xB280, s8;
	s10 =	smax.u32 s10, $0x1  }
0xe: {  	s6 =	simm.s32 @!p0 $0xFFFFF68C;
	s5 =	sadd.s32 s5, s2;
	s9 =	sadd.s32 $0xB400, s30  }
0xf: {  	p0 =	seq.s32 s11, $0x1F;
	s11 =	simm.s32 $0x2880;
	s4 =	sadd.s32 $0x9C4, s6  }
0x10: {  	v0 =	vimm.f32 $1.000000000e+00;
	v1 =	vimm.f32 $0.0e+00;
	s6 =	sadd.s32 s7, s12;
	s7 =	sadd.s32 $0x9B00, s7;
	s12 =	simm.s32 $0x2  }
.LBB2_1:
0x11: {  	[tilespmem:$0x2800] =	vst v0  }
0x12: {  	[tilespmem:$0x2810] =	vst v0  }
0x13: {  	[tilespmem:$0x2820] =	vst v0  }
0x14: {  	[tilespmem:$0x2830] =	vst v0  }
0x15: {  	[tilespmem:$0x2840] =	vst v0  }
0x16: {  	[tilespmem:$0x2850] =	vst v0  }
0x17: {  	[tilespmem:$0x2860] =	vst v0  }
0x18: {  	[tilespmem:$0x2870] =	vst v0  }
0x19: {  	[tilespmem:$0x2880] =	vst v1  }
0x1a: {  	[tilespmem:$0x2890] =	vst v1  }
0x1b: {  	[tilespmem:$0x28A0] =	vst v1  }
0x1c: {  	[tilespmem:$0x28B0] =	vst v1  }
0x1d: {  	[tilespmem:$0x28C0] =	vst v1  }
0x1e: {  	[tilespmem:$0x28D0] =	vst v1  }
0x1f: {  	[tilespmem:$0x28E0] =	vst v1  }
0x20: {  	[tilespmem:$0x28F0] =	vst v1  }
0x21: {  	[tilespmem:$0x2900] =	vst v1  }
0x22: {  	[tilespmem:$0x2910] =	vst v1  }
0x23: {  	[tilespmem:$0x2920] =	vst v1  }
0x24: {  	[tilespmem:$0x2930] =	vst v1  }
0x25: {  	[tilespmem:$0x2940] =	vst v1  }
0x26: {  	[tilespmem:$0x2950] =	vst v1  }
0x27: {  	[tilespmem:$0x2960] =	vst v1  }
0x28: {  	[tilespmem:$0x2970] =	vst v1  }
0x29: {  	[tilespmem:$0x2980] =	vst v1  }
0x2a: {  	[tilespmem:$0x2990] =	vst v1  }
0x2b: {  	[tilespmem:$0x29A0] =	vst v1  }
0x2c: {  	[tilespmem:$0x29B0] =	vst v1  }
0x2d: {  	[tilespmem:$0x29C0] =	vst v1  }
0x2e: {  	[tilespmem:$0x29D0] =	vst v1  }
0x2f: {  	[tilespmem:$0x29E0] =	vst v1  }
0x30: {  	[tilespmem:$0x29F0] =	vst v1  }
0x31: {  	[tilespmem:$0x2A00] =	vst v1  }
0x32: {  	[tilespmem:$0x2A10] =	vst v1  }
0x33: {  	[tilespmem:$0x2A20] =	vst v1  }
0x34: {  	[tilespmem:$0x2A30] =	vst v1  }
0x35: {  	[tilespmem:$0x2A40] =	vst v1  }
0x36: {  	[tilespmem:$0x2A50] =	vst v1  }
0x37: {  	[tilespmem:$0x2A60] =	vst v1  }
0x38: {  	[tilespmem:$0x2A70] =	vst v1  }
0x39: {  	[tilespmem:$0x2A80] =	vst v1  }
0x3a: {  	[tilespmem:$0x2A90] =	vst v1  }
0x3b: {  	[tilespmem:$0x2AA0] =	vst v1  }
0x3c: {  	[tilespmem:$0x2AB0] =	vst v1  }
0x3d: {  	[tilespmem:$0x2AC0] =	vst v1  }
0x3e: {  	[tilespmem:$0x2AD0] =	vst v1  }
0x3f: {  	[tilespmem:$0x2AE0] =	vst v1  }
0x40: {  	[tilespmem:$0x2AF0] =	vst v1  }
0x41: {  	[spmem:s5] =	stream.linear.scatter [tilespmem:s11], [sflag:$0x2], $0x280, $0x38;
	[tilespmem:$0x2D80] =	vst v63  }
0x42: {  	_ =	swait.ge [sflag:s12], $0x280  }
0x43: {  	[sflag:s12] =	ssyncset.done $0x0  }
0x44: {  	s18 =	simm.s32 @p0 $0x0;
	s19 =	simm.s32 @p0 $0x2;
	[sflag:s12] =	ssyncadd.s32 $0xFFFFFD80  }
0x45: {  	[tilespmem:s18], [sflag:$0x2] =	stream.linear.gather @p0 [hbm4b:s7+s18], $0x800, $0x38;
	[tilespmem:$0x2D80] =	vst v63  }
0x46: {  	_ =	swait.ge @p0 [sflag:s19], $0x800  }
0x47: {  	[sflag:s19] =	ssyncset.done @p0 $0x0  }
0x48: {  	s20 =	simm.s32 @p0 $0x800;
	[sflag:s19] =	ssyncadd.s32 @p0 $0xFFFFF800  }
0x49: {  	[tilespmem:s20], [sflag:$0x2] =	stream.linear.gather @p0 [hbm4b:s8+s18], $0x400, $0x38;
	[tilespmem:$0x2D80] =	vst v63  }
0x4a: {  	_ =	swait.ge @p0 [sflag:s19], $0x400  }
0x4b: {  	[sflag:s19] =	ssyncset.done @p0 $0x0  }
0x4c: {  	s18 =	simm.s32 @!p0 $0x0;
	[sflag:s19] =	ssyncadd.s32 @p0 $0xFFFFFC00  }
0x4d: {  	[tilespmem:s18], [sflag:$0x2] =	stream.linear.gather @!p0 [hbm4b:s6+s18], $0x2800, $0x38;
	[tilespmem:$0x2D80] =	vst v63  }
0x4e: {  	p1 =	sgt.u32 s4, $0x1;
	s18 =	simm.s32 @!p0 $0x2  }
.Ltmp0:
0x4f: {  	_ =	swait.ge @!p0 [sflag:s18], $0x2800;
	(pc) =	sbr.rel @!p1 .LBB2_3-.Ltmp0, $4  }
0x50: {  	[sflag:s18] =	ssyncset.done @!p0 $0x0  }
0x51: {  	[sflag:s18] =	ssyncadd.s32 @!p0 $0xFFFFD800  }
0x52: {  	s19 =	simm.s32 $0x0;
	s18 =	simm.s32 $0x1;
	[bflag:$0x0] =	sbarrier.arrive $0xFFFF  }
0x53: {  	[spmem:s2] =	stream.indirect.scatter.add.f32 [tilespmem:s14], [sflag:$0x1], $0x1, s3, s13, $0xb8;
	[tilespmem:$0x2D80] =	vst v63  }
.LBB2_2:
0x54: {  	s18 =	sadd.s32 $0x1, s18  }
0x55: {  	p1 =	slt.u32 s18, s4  }
.Ltmp1:
0x56: {  	_ = 	snop;
	(pc) =	sbr.rel @p1 .LBB2_2-.Ltmp1, $3  }
0x57: {  	_ = 	snop  }
0x58: {  	s19 =	sadd.s32 $0x80, s19;
	_ =	sdelay $0x1  }
0x59: {  	[spmem:s2] =	stream.indirect.scatter.add.f32 [tilespmem:s14], [sflag:$0x1], $0x1, s19, s13, $0xb8;
	[tilespmem:$0x2D80] =	vst v63  }
.LBB2_3:
0x5a: {  	p1 =	sgt.u32 s4, $0x1  }
.Ltmp2:
0x5b: {  	_ = 	snop;
	(pc) =	sbr.rel @!p1 .LBB2_5-.Ltmp2, $3  }
0x5c: {  	_ =	sdelay $0x1  }
0x5d: {  	_ =	swait.ge [sflag:s15], $0x80  }
0x5e: {  	s18 =	simm.s32 $0x1;
	[sflag:s15] =	ssyncset.done $0x0  }
.LBB2_4:
0x5f: {  	s18 =	sadd.s32 $0x1, s18  }
0x60: {  	[sflag:s15] =	ssyncadd.s32 $0xFFFFFF80;
	p1 =	slt.u32 s18, s4  }
.Ltmp3:
0x61: {  	(pc) =	sbr.rel @p1 .LBB2_4-.Ltmp3, $3  }
0x62: {  	_ =	sdelay $0x1  }
0x63: {  	_ =	swait.ge [sflag:s15], $0x80  }
0x64: {  	[sflag:s15] =	ssyncset.done $0x0  }
.LBB2_5:
0x65: {  	[sflag:s15] =	ssyncadd.s32 $0xFFFFFF80  }
0x66: {  	[bflag:$0x0] =	sbarrier.arrive $0xFFFF  }
0x67: {  	[tilespmem:s11], [sflag:$0x2] =	stream.linear.gather [spmem:s5], $0x280, $0x38;
	[tilespmem:$0x2D80] =	vst v63  }
0x68: {  	s17 =	sadd.s32 $0x1, s17;
	_ =	swait.ge [sflag:s12], $0x280  }
0x69: {  	p1 =	sne.s32 s17, s10;
	[sflag:s12] =	ssyncset.done $0x0  }
.Ltmp4:
0x6a: {  	[sflag:s12] =	ssyncadd.s32 $0xFFFFFD80;
	(pc) =	sbr.rel @p1 .LBB2_1-.Ltmp4, $4  }
0x6b: {  	[hbm4b:s9+s13] =	stream.strided.scatter [tilespmem:s11], [sflag:$0x2], $0x280, s16, s13, $0x38;
	[tilespmem:$0x2D80] =	vst v63  }
0x6c: {  	_ =	swait.ge [sflag:s12], $0x280  }
0x6d: {  	[sflag:s12] =	ssyncset.done $0x0  }
0x6e: {  	[sflag:s12] =	ssyncadd.s32 $0xFFFFFD80  }
0x6f: {  	_ =	sfence.sel $0x180000  }
0x70: {  	[bflag:$0x0] =	sbarrier.arrive $0xFFFF  }
0x71: {  	p0 =	sne.s32 s1, $0x0;
	_ =	strace $0x90000047  }
0x72: {  	s0 =	sadd.s32 @!p0 $0x100000, s0;
	[bflag:$0x2] =	sbarrier.arrive $0xFFFF  }
0x73: {  	[sflag:s0] =	ssyncadd.tile.s32 @!p0 $0x1;
	_ =	shalt  }
.Lfunc_end2:
_tile_overlayer_lowered:
.L_overlay_start_2:
0x74: {  	(tag) =	ssettag $0x2  }
0x75: {  	s0 =	rddreg [dreg:$0x0];
	s2 =	stileid.u32  }
0x76: {  	s1 =	rddreg [dreg:$0x1];
	p0 =	sne.s32 s2, $0x0  }
0x77: {  	s3 =	rddreg [dreg:$0x2];
	[bflag:$0x3] =	sbarrier.arrive $0xFFFF;
	s2 =	simm.s32 @!p0 $0x1C02  }
0x78: {  	[timem:s3], [sflag:s2] =	dma.local @!p0 [hbm:s0], s1  }
0x79: {  	s0 =	simm.s32 @!p0 $0x2  }
0x7a: {  	_ =	swait.ge @!p0 [sflag:s0], s1  }
0x7b: {  	s1 =	ssub.s32 @!p0 $0x0, s1;
	[sflag:s0] =	ssyncset.done @!p0 $0x0  }
0x7c: {  	[sflag:s0] =	ssyncadd.s32 @!p0 s1  }
0x7d: {  	[bflag:$0x3] =	sbarrier.arrive $0xFFFF  }
0x7e: {  	_ =	shalt  }

// kernel: kernel.9.cloned.1.call-start
scs
__scs_entry_jumppad:
0x0: {  	(pc) =	sbr.rel $0x88, $3  }
0x1: {  	(tag) =	ssettag $0x0;
	lr =	simm.s32 $0x1  }
0x2: {  	[smem:$0x3F9D] =	sst lr;
	_ =	strace $0xD0000000  }
0x3: {  	_ = 	snop  }
0x4: {  	_ = 	snop  }
0x5: {  	_ = 	snop  }
0x6: {  	_ = 	snop  }
0x7: {  	_ = 	snop  }
__scs_overlays_trampoline_lowered:
0x8: {  	[smem:$0x3FAC] =	sst s0  }
0x9: {  	[smem:$0x3FAD] =	sst s1  }
0xa: {  	[smem:$0x3FAE] =	sst s2  }
0xb: {  	[smem:$0x3FAF] =	sst s3  }
0xc: {  	[smem:$0x3FB0] =	sst s4  }
0xd: {  	[smem:$0x3FB1] =	sst s5  }
0xe: {  	[smem:$0x3FB2] =	sst s6  }
0xf: {  	[smem:$0x3FB3] =	sst s7  }
0x10: {  	[smem:$0x3FB4] =	sst s8  }
0x11: {  	[smem:$0x3FB5] =	sst s9;
	s0 =	simm.s32 @!p0 $0x0  }
0x12: {  	s1 =	sld [smem:$0x3F9B];
	s0 =	simm.s32 @p0 $0x1  }
0x13: {  	[smem:$0x3FB6] =	sst s0;
	s0 =	simm.s32 @!p1 $0x0  }
0x14: {  	s2 =	sld [smem:$0x3F9A];
	s0 =	simm.s32 @p1 $0x1  }
0x15: {  	[smem:$0x3FB7] =	sst s0;
	s0 =	simm.s32 @!p2 $0x0  }
0x16: {  	s3 =	sld [smem:$0x3FDB];
	s0 =	simm.s32 @p2 $0x1  }
0x17: {  	s4 =	simm.s32 $0x1BF5;
	[smem:$0x3FB9] =	sst s0  }
0x18: {  	s0 =	sld [smem:$0x3F9C];
	_ =	swait.ge [sflag:s4], $0x0  }
0x19: {  	s7 =	sld [smem:$0x3F9D]  }
0x1a: {  	s8 =	sadd.s32 $0xFFFFE003, lr  }
0x1b: {  	s9 =	sadd.s32 $0xFFFFFEF7, lr;
	s5 =	simm.s32 $0xFFFFFFFF;
	p2 =	slt.u32 s8, $0xFFFFF086  }
0x1c: {  	p1 =	slt.u32 s9, $0xF7A;
	s5 =	simm.s32 @!p2 $0x0  }
0x1d: {  	s5 =	simm.s32 @p1 $0x1;
	p0 =	seq.s32 s7, s2  }
0x1e: {  	s7 =	smul.u32 @!p0 $0xF7A, s2;
	p2 =	seq.s32 @!p0 s5, $0x0  }
0x1f: {  	s9 =	smul.u32 $0xF7A, s1;
	s8 =	simm.s32 @!p0 $0x1BF5;
	p2 =	por !p2, p0  }
0x20: {  	[sflag:s8] =	ssyncset.s32 @!p0 $0xFFFFF086;
	s6 =	sadd.s32 @!p0 s3, s7;
	s7 =	simm.s32 @!p0 $0x108  }
0x21: {  	s3 =	sadd.s32 s3, s9;
	s6 =	sadd.s32 @!p0 $0x88, s6;
	s7 =	simm.s32 @p2 $0x1082  }
0x22: {  	[simem:s7], [sflag:s8] =	dma.local @!p0 [hbm:s6], $0xF7A  }
0x23: {  	s9 =	sor.u32 $0xD0000000, s2;
	s6 =	simm.s32 $0x108;
	_ =	swait.ge @!p0 [sflag:s8], $0x0  }
0x24: {  	s3 =	sadd.s32 $0x88, s3;
	s6 =	simm.s32 @!p1 $0x1082;
	[sflag:s4] =	ssyncset.s32 $0xFFFFF086  }
0x25: {  	[simem:s6], [sflag:s4] =	dma.local [hbm:s3], $0xF7A  }
0x26: {  	[smem:$0x3F9D] =	sst s1;
	(tag) =	ssettag s2;
	_ =	strace s9  }
0x27: {  	s1 =	sld [smem:$0x3FAD]  }
0x28: {  	s2 =	sld [smem:$0x3FAE]  }
0x29: {  	s4 =	sld [smem:$0x3FB0]  }
0x2a: {  	p0 =	seq.s32 s5, $0x0;
	s5 =	sld [smem:$0x3FB1]  }
0x2b: {  	s6 =	sld [smem:$0x3FB2]  }
0x2c: {  	s7 =	sld [smem:$0x3FB3]  }
0x2d: {  	s3 =	simm.s32 $0x108;
	s8 =	sld [smem:$0x3FB4]  }
0x2e: {  	s3 =	simm.s32 @!p0 $0x1082;
	s9 =	sld [smem:$0x3FB5]  }
0x2f: {  	lr =	sadd.s32 s0, s3;
	s0 =	sld [smem:$0x3FAC]  }
0x30: {  	s3 =	sld [smem:$0x3FAF]  }
0x31: {  	[smem:$0x3FB8] =	sst s10  }
0x32: {  	s10 =	sld [smem:$0x3FB6];
	_ =	sdelay $0x3  }
0x33: {  	p0 =	seq.s32 s10, $0x1;
	s10 =	sld [smem:$0x3FB8];
	_ =	sdelay $0x3  }
0x34: {  	[smem:$0x3FB8] =	sst s10  }
0x35: {  	s10 =	sld [smem:$0x3FB7];
	_ =	sdelay $0x3  }
0x36: {  	p1 =	seq.s32 s10, $0x1;
	s10 =	sld [smem:$0x3FB8];
	_ =	sdelay $0x3  }
0x37: {  	[smem:$0x3FB8] =	sst s10  }
0x38: {  	s10 =	sld [smem:$0x3FB9]  }
0x39: {  	_ = 	snop;
	(pc) =	sbr.ind lr, $3  }
0x3a: {  	_ = 	snop  }
0x3b: {  	_ = 	snop  }
0x3c: {  	p2 =	seq.s32 s10, $0x1;
	s10 =	sld [smem:$0x3FB8]  }
0x3d: {  	_ =	shalt  }
0x3e: {  	_ =	shalt  }
0x3f: {  	_ =	shalt  }
0x40: {  	_ =	shalt  }
0x41: {  	_ =	shalt  }
0x42: {  	_ =	shalt  }
0x43: {  	_ =	shalt  }
0x44: {  	_ =	shalt  }
0x45: {  	_ =	shalt  }
0x46: {  	_ =	shalt  }
0x47: {  	_ =	shalt  }
0x48: {  	_ =	shalt  }
0x49: {  	_ =	shalt  }
0x4a: {  	_ =	shalt  }
0x4b: {  	_ =	shalt  }
0x4c: {  	_ =	shalt  }
0x4d: {  	_ =	shalt  }
0x4e: {  	_ =	shalt  }
0x4f: {  	_ =	shalt  }
0x50: {  	_ =	shalt  }
0x51: {  	_ =	shalt  }
0x52: {  	_ =	shalt  }
0x53: {  	_ =	shalt  }
0x54: {  	_ =	shalt  }
0x55: {  	_ =	shalt  }
0x56: {  	_ =	shalt  }
0x57: {  	_ =	shalt  }
0x58: {  	_ =	shalt  }
0x59: {  	_ =	shalt  }
0x5a: {  	_ =	shalt  }
0x5b: {  	_ =	shalt  }
0x5c: {  	_ =	shalt  }
0x5d: {  	_ =	shalt  }
0x5e: {  	_ =	shalt  }
0x5f: {  	_ =	shalt  }
0x60: {  	_ =	shalt  }
0x61: {  	_ =	shalt  }
0x62: {  	_ =	shalt  }
0x63: {  	_ =	shalt  }
0x64: {  	_ =	shalt  }
0x65: {  	_ =	shalt  }
0x66: {  	_ =	shalt  }
0x67: {  	_ =	shalt  }
0x68: {  	_ =	shalt  }
0x69: {  	_ =	shalt  }
0x6a: {  	_ =	shalt  }
0x6b: {  	_ =	shalt  }
0x6c: {  	_ =	shalt  }
0x6d: {  	_ =	shalt  }
0x6e: {  	_ =	shalt  }
0x6f: {  	_ =	shalt  }
0x70: {  	_ =	shalt  }
0x71: {  	_ =	shalt  }
0x72: {  	_ =	shalt  }
0x73: {  	_ =	shalt  }
0x74: {  	_ =	shalt  }
0x75: {  	_ =	shalt  }
0x76: {  	_ =	shalt  }
0x77: {  	_ =	shalt  }
0x78: {  	_ =	shalt  }
0x79: {  	_ =	shalt  }
0x7a: {  	_ =	shalt  }
0x7b: {  	_ =	shalt  }
0x7c: {  	_ =	shalt  }
0x7d: {  	_ =	shalt  }
0x7e: {  	_ =	shalt  }
0x7f: {  	_ =	shalt  }
0x80: {  	_ =	shalt  }
0x81: {  	_ =	shalt  }
0x82: {  	_ =	shalt  }
0x83: {  	_ =	shalt  }
0x84: {  	_ =	shalt  }
0x85: {  	_ =	shalt  }
0x86: {  	_ =	shalt  }
0x87: {  	_ =	shalt  }
.Lfunc_end0:
.L_simem_size_0:
called_computation.1_lowered:
.L_overlay_start_0:
0x88: {  	s2 =	sld [smem:$0x3FD9]  }
0x89: {  	s3 =	sld [smem:$0x3FFE];
	_ =	sdelay $0x1  }
0x8a: {  	s1 =	srdreg.scid  }
0x8b: {  	s0 =	sand.u32 $0x1, s1  }
0x8c: {  	s17 =	sshll.u32 s0, $0xA;
	s2 =	sadd.s32 s3, s2  }
0x8d: {  	s2 =	sadd.s32 s2, s17  }
0x8e: {  	[smem:$0x3FC4] =	sst s2  }
0x8f: {  	_ = 	snop  }
0x90: {  	s2 =	sld [smem:$0x3FD0];
	(tm) =	ssettm $0x1  }
0x91: {  	s18 =	sld [smem:$0x3FFB];
	_ =	sdelay $0x3  }
0x92: {  	_ =	strace s18  }
0x93: {  	s3 =	sld [smem:$0x3FFC];
	_ =	sdelay $0x3  }
0x94: {  	_ =	strace s3  }
0x95: {  	s3 =	sld [smem:$0x3FFD];
	_ =	sdelay $0x3  }
0x96: {  	_ =	strace s3  }
0x97: {  	_ =	strace $0x8FFFFFFF  }
0x98: {  	s19 =	sld [smem:$0x3FDB];
	_ =	sdelay $0x1  }
0x99: {  	s4 =	simm.s32 $_scs_section_size  }
0x9a: {  	s5 =	simm.s32 $_size__tile_overlayer_lowered;
	s6 =	simm.s32 $_tile_overlayer_lowered  }
0x9b: {  	s22 =	simm.s32 $0x1BFF;
	s21 =	sshll.u32 s6, $0x1;
	s3 =	sadd.s32 s4, s19  }
0x9c: {  	s7 =	simm.s32 $0x0;
	s20 =	sshll.u32 s5, $0x1;
	s5 =	sadd.s32 s21, s3  }
0x9d: {  	[timem:s7], [sflag:s22] =	dma.local [hbm:s5], s20  }
0x9e: {  	_ =	swait.ge [sflag:s22], s20  }
0x9f: {  	s4 =	ssub.s32 $0x0, s20;
	[sflag:s22] =	ssyncset.done $0x0  }
0xa0: {  	[sflag:s22] =	ssyncadd.s32 s4;
	_ =	sdelay $0x1  }
0xa1: {  	s23 =	simm.s32 $0x1B8B  }
0xa2: {  	_ =	swait.ge [sflag:s23], $0x1  }
0xa3: {  	[sflag:s23] =	ssyncset.done $0x0  }
0xa4: {  	s25 =	simm.s32 $0x1B8E;
	s24 =	sld [smem:$0x3FFE];
	[sflag:s23] =	ssyncadd.s32 $0xFFFFFFFF  }
0xa5: {  	s26 =	simm.s32 $execute0_lowered;
	[smem:$0x3FD2] =	sst s25  }
0xa6: {  	s5 =	sshll.u32 s26, $0x1;
	_ =	strace $0x80000049;
	[dreg:$0x1] =	wrdreg $0xFFFFFFFF  }
0xa7: {  	s28 =	simm.s32 $_size_execute0_lowered;
	s3 =	sadd.s32 s3, s5;
	[dreg:$0x0] =	wrdreg $0x0  }
0xa8: {  	s5 =	sshll.u32 s28, $0x1;
	[dreg:$0x2] =	wrdreg s3  }
0xa9: {  	[dreg:$0x3] =	wrdreg s5  }
0xaa: {  	[dreg:$0x4] =	wrdreg $0xC0  }
0xab: {  	_ =	task [dreg:s7], $0x5FFFF  }
0xac: {  	[dreg:$0x1] =	wrdreg $0xFFFFFFFF  }
0xad: {  	[dreg:$0x0] =	wrdreg $0x60  }
0xae: {  	[dreg:$0x2] =	wrdreg s24  }
0xaf: {  	[dreg:$0x3] =	wrdreg s2  }
0xb0: {  	[dreg:$0x4] =	wrdreg $0x90000  }
0xb1: {  	[dreg:$0x5] =	wrdreg $0x9  }
0xb2: {  	_ =	task.clear_ibuf [dreg:s7], $0x6FFFF;
	_ =	strace $0x90000049  }
0xb3: {  	s29 =	simm.s32 $0x9;
	_ =	strace $0x8000004B  }
0xb4: {  	_ =	swait.ge [sflag:s29], $0x1  }
0xb5: {  	[sflag:s29] =	ssyncadd.s32 $0xFFFFFFFF  }
0xb6: {  	_ =	strace $0x9000004B  }
0xb7: {  	_ =	sfence  }
0xb8: {  	s30 =	sld [smem:$0x0];
	_ =	sdelay $0x2  }
0xb9: {  	s31 =	sshll.u32 s1, $0xD;
	s1 =	sshrl.u32 s1, $0x2  }
0xba: {  	s3 =	sand.u32 $0x4000, s31;
	s1 =	sadd.s32 s1, s30  }
0xbb: {  	s0 =	sor.u32 s3, s0;
	s1 =	sshll.u32 s1, $0x11  }
0xbc: {  	s0 =	sor.u32 s1, s0  }
0xbd: {  	s0 =	sadd.s32 $0x8F2B, s0  }
0xbe: {  	[sflag:s0] =	ssyncadd.remote.s32 $0x1  }
0xbf: {  	_ =	sfence.sel $0xFFFF  }
0xc0: {  	[dreg:$0x0] =	wrdreg $0xFFFFFFFF;
	(pc) =	sbr.abs _section_cstart, $3  }
0xc1: {  	[dreg:$0x1] =	wrdreg $0xFFFFFFFF  }
0xc2: {  	_ =	task.clear_ibuf [dreg:s7], $0x2FFFF;
	_ =	strace $0x9FFFFFFF  }
0xc3: {  	(tm) =	ssettm $0x7FFFFFFF  }
tec
execute0_lowered:
.L_overlay_start_1:
0x0: {  	(tag) =	ssettag $0x1  }
0x1: {  	s0 =	rddreg [dreg:$0x0]  }
0x2: {  	s2 =	rddreg [dreg:$0x1]  }
0x3: {  	s3 =	rddreg [dreg:$0x2]  }
0x4: {  	s12 =	stileid.u32;
	s4 =	simm.s32 $0x0;
	s1 =	srdreg.scid  }
0x5: {  	s29 =	simm.s32 $0x5;
	s30 =	simm.s32 $0x80;
	s31 =	simm.s32 $0x0  }
0x6: {  	s8 =	smul.u32 $0x50, s12;
	[smem:$0x7FF] =	sst s4;
	s1 =	sand.u32 $0x1, s1  }
0x7: {  	s6 =	sadd.s32 $0xB400, s0;
	s7 =	sadd.s32 $0x1400, s0;
	s15 =	sadd.s32 $0x33400, s0  }
0x8: {  	s17 =	sshll.u32 s12, $0xE;
	_ =	strace $0x8000004A;
	p0 =	seq.s32 s1, $0x0  }
0x9: {  	s10 =	ssub.s32 $0x2, s1;
	s19 =	sor.u32 $0x40000, s17;
	s20 =	sor.u32 $0x80000, s17  }
0xa: {  	s21 =	sor.u32 $0xC0000, s17;
	s22 =	sor.u32 $0x100000, s17;
	s1 =	smul.u32 $0x140000, s1  }
0xb: {  	s5 =	sadd.s32 $0x500, s8;
	s11 =	sshrl.u32 s10, $0x1;
	s12 =	sadd.s32 s20, s3  }
0xc: {  	s13 =	sadd.s32 s21, s3;
	s14 =	sadd.s32 s22, s3;
	s5 =	smov.u32 @p0 s8  }
0xd: {  	s8 =	sadd.s32 $0xB200, s0;
	s16 =	ssub.s32 s10, s11;
	s10 =	sadd.s32 s17, s3  }
0xe: {  	s11 =	sadd.s32 s19, s3;
	s24 =	sor.u32 s17, s1;
	s19 =	sadd.s32 s1, s19  }
0xf: {  	s20 =	sadd.s32 s1, s20;
	s21 =	sadd.s32 s1, s21;
	s1 =	sadd.s32 s1, s22  }
0x10: {  	s17 =	sadd.s32 $0xB280, s0;
	s9 =	ssub.s32 $0x9C4, s5;
	s23 =	sshll.u32 s5, $0x4  }
0x11: {  	s24 =	sshrl.u32 s24, $0x3;
	s19 =	sshrl.u32 s19, $0x3;
	s26 =	sshrl.u32 s20, $0x3  }
0x12: {  	s1 =	sshrl.u32 s1, $0x3;
	s9 =	smin.u32 s9, $0x50;
	s28 =	sadd.s32 s7, s23  }
0x13: {  	s22 =	sadd.s32 s2, s23;
	s0 =	sadd.s32 s15, s24;
	[dreg:$0x4] =	wrdreg s28  }
0x14: {  	s25 =	sadd.s32 s15, s19;
	s24 =	smax.u32 s16, $0x1;
	[dreg:$0x5] =	wrdreg s22  }
.Ltmp0:
0x15: {  	s9 =	simm.s32 @p0 $0x50;
	[dreg:$0x6] =	wrdreg s0;
	(pc) =	sbr.rel .LBB2_1-.Ltmp0, $4  }
0x16: {  	[dreg:$0x7] =	wrdreg s25;
	s0 =	sadd.s32 s15, s26;
	s28 =	sshrl.u32 s21, $0x3  }
0x17: {  	s25 =	simm.s32 $0x1000;
	s26 =	simm.s32 $0x6;
	s18 =	sxor.u32 $0xFFFFFFFF, s9  }
0x18: {  	[dreg:$0x8] =	wrdreg s0;
	s0 =	sadd.s32 s15, s28;
	s23 =	sand.u32 $0x1, s18  }
0x19: {  	v0 =	vimm.f32 $0.0e+00;
	[dreg:$0x9] =	wrdreg s0;
	s18 =	sadd.s32 $0x3, s23;
	s23 =	sadd.s32 s15, s1  }
.LBB2_10:
0x1a: {  	_ =	swait.ge [sflag:s18], $0x4000  }
0x1b: {  	[sflag:s18] =	ssyncset.done $0x0  }
0x1c: {  	s0 =	stileid.u32;
	[sflag:s18] =	ssyncadd.s32 $0xFFFFC000  }
0x1d: {  	s0 =	sshll.u32 s0, $0x6;
	[bflag:$0x0] =	sbarrier.arrive $0xFFFF  }
0x1e: {  	s1 =	sshrl.u32 s10, $0x3;
	s0 =	sor.u32 $0x1C05, s0;
	s15 =	rddreg [dreg:$0x6]  }
0x1f: {  	[hbm:s15], [sflag:s0] =	dma.local [spmem:s1], $0x800  }
0x20: {  	s20 =	sshrl.u32 s11, $0x3;
	s15 =	rddreg [dreg:$0x7]  }
0x21: {  	[hbm:s15], [sflag:s0] =	dma.local [spmem:s20], $0x800  }
0x22: {  	s21 =	sshrl.u32 s12, $0x3;
	s15 =	rddreg [dreg:$0x8]  }
0x23: {  	[hbm:s15], [sflag:s0] =	dma.local [spmem:s21], $0x800  }
0x24: {  	s22 =	sshrl.u32 s13, $0x3;
	s28 =	sshrl.u32 s14, $0x3;
	s15 =	rddreg [dreg:$0x9]  }
0x25: {  	[hbm:s15], [sflag:s0] =	dma.local [spmem:s22], $0x800  }
0x26: {  	[hbm:s23], [sflag:s0] =	dma.local [spmem:s28], $0x800  }
0x27: {  	_ =	swait.ge [sflag:s29], $0x800  }
0x28: {  	[sflag:s29] =	ssyncset.done $0x0  }
0x29: {  	[sflag:s29] =	ssyncadd.s32 $0xFFFFF800  }
0x2a: {  	_ =	swait.ge [sflag:s29], $0x800  }
0x2b: {  	[sflag:s29] =	ssyncset.done $0x0  }
0x2c: {  	[sflag:s29] =	ssyncadd.s32 $0xFFFFF800  }
0x2d: {  	_ =	swait.ge [sflag:s29], $0x800  }
0x2e: {  	[sflag:s29] =	ssyncset.done $0x0  }
0x2f: {  	s31 =	sadd.s32 $0x1, s31;
	[sflag:s29] =	ssyncadd.s32 $0xFFFFF800  }
0x30: {  	p0 =	sne.s32 s31, s24;
	_ =	swait.ge [sflag:s29], $0x800  }
.Ltmp1:
0x31: {  	[sflag:s29] =	ssyncset.done $0x0;
	(pc) =	sbr.rel @!p0 .LBB2_11-.Ltmp1, $4  }
0x32: {  	[sflag:s29] =	ssyncadd.s32 $0xFFFFF800  }
0x33: {  	_ =	swait.ge [sflag:s29], $0x800  }
0x34: {  	[sflag:s29] =	ssyncset.done $0x0  }
0x35: {  	[sflag:s29] =	ssyncadd.s32 $0xFFFFF800  }
.LBB2_1:
0x36: {  	s0 =	sand.u32 $0xFE00, s4  }
0x37: {  	s1 =	sand.u32 $0x70, s4;
	s15 =	sshrl.u32 s0, $0x2  }
0x38: {  	s0 =	simm.s32 $0x40;
	s15 =	sor.u32 s1, s15;
	s1 =	simm.s32 $0x0  }
.LBB2_2:
0x39: {  	p0 =	sne.s32 s0, $0xFFC0  }
0x3a: {  	[tilespmem:s15+$0x1000] =	vst v0;
	s1 =	sadd.s32 $0x10, s1;
	s15 =	smov.u32 s0;
	s0 =	sadd.s32 $0x40, s0  }
.Ltmp2:
0x3b: {  	(pc) =	sbr.rel @p0 .LBB2_2-.Ltmp2, $4  }
0x3c: {  	_ = 	snop  }
0x3d: {  	s15 =	sand.u32 $0xFE00, s15  }
0x3e: {  	s16 =	sand.u32 $0x70, s1;
	s15 =	sshrl.u32 s15, $0x2  }
0x3f: {  	s15 =	sor.u32 s16, s15  }
0x40: {  	[tilespmem:s15+$0x1000] =	vst v0  }
0x41: {  	[spmem:s10] =	stream.linear.scatter [tilespmem:s25], [sflag:$0x5], $0x4000, $0x38;
	[tilespmem:$0x1D000] =	vst v63  }
0x42: {  	_ = 	snop  }
0x43: {  	[spmem:s11] =	stream.linear.scatter [tilespmem:s25], [sflag:$0x5], $0x4000, $0x38;
	[tilespmem:$0x1D000] =	vst v63  }
0x44: {  	_ = 	snop  }
0x45: {  	[spmem:s12] =	stream.linear.scatter [tilespmem:s25], [sflag:$0x5], $0x4000, $0x38;
	[tilespmem:$0x1D000] =	vst v63  }
0x46: {  	_ = 	snop  }
0x47: {  	[spmem:s13] =	stream.linear.scatter [tilespmem:s25], [sflag:$0x5], $0x4000, $0x38;
	[tilespmem:$0x1D000] =	vst v63  }
0x48: {  	_ = 	snop  }
0x49: {  	[spmem:s14] =	stream.linear.scatter [tilespmem:s25], [sflag:$0x5], $0x4000, $0x38;
	[tilespmem:$0x1D000] =	vst v63  }
0x4a: {  	s0 =	simm.s32 $0x0;
	s1 =	rddreg [dreg:$0x4]  }
0x4b: {  	[tilespmem:s0], [sflag:$0x6] =	stream.linear.gather [hbm4b:s1+s0], $0x400, $0x38;
	[tilespmem:$0x1D000] =	vst v63  }
0x4c: {  	_ =	swait.ge [sflag:s26], $0x400  }
0x4d: {  	[sflag:s26] =	ssyncset.done $0x0  }
0x4e: {  	s28 =	simm.s32 $0x800;
	s22 =	rddreg [dreg:$0x5];
	[sflag:s26] =	ssyncadd.s32 $0xFFFFFC00  }
0x4f: {  	[tilespmem:s28], [sflag:$0x6] =	stream.linear.gather [hbm4b:s22+s0], $0x400, $0x38;
	[tilespmem:$0x1D000] =	vst v63  }
0x50: {  	_ =	swait.ge [sflag:s26], $0x400  }
0x51: {  	[sflag:s26] =	ssyncset.done $0x0  }
0x52: {  	[sflag:s26] =	ssyncadd.s32 $0xFFFFFC00  }
0x53: {  	_ =	swait.ge [sflag:s29], $0x4000  }
0x54: {  	[sflag:s29] =	ssyncset.done $0x0  }
0x55: {  	[sflag:s29] =	ssyncadd.s32 $0xFFFFC000  }
0x56: {  	_ =	swait.ge [sflag:s29], $0x4000  }
0x57: {  	[sflag:s29] =	ssyncset.done $0x0  }
0x58: {  	[sflag:s29] =	ssyncadd.s32 $0xFFFFC000  }
0x59: {  	_ =	swait.ge [sflag:s29], $0x4000  }
0x5a: {  	[sflag:s29] =	ssyncset.done $0x0  }
0x5b: {  	[sflag:s29] =	ssyncadd.s32 $0xFFFFC000  }
0x5c: {  	_ =	swait.ge [sflag:s29], $0x4000  }
0x5d: {  	[sflag:s29] =	ssyncset.done $0x0  }
0x5e: {  	[sflag:s29] =	ssyncadd.s32 $0xFFFFC000  }
.Ltmp3:
0x5f: {  	_ =	swait.ge [sflag:s29], $0x4000;
	(pc) =	sbr.rel .LBB2_4-.Ltmp3, $4  }
0x60: {  	[sflag:s29] =	ssyncset.done $0x0  }
0x61: {  	[sflag:s29] =	ssyncadd.s32 $0xFFFFC000  }
0x62: {  	s1 =	simm.s32 $0x80;
	[bflag:$0x0] =	sbarrier.arrive $0xFFFF  }
0x63: {  	[tilespmem:s25], [sflag:$0x1] =	stream.indirect.gather [hbm4b:s6+s1], $0x80, s0, s1, $0xb8;
	[tilespmem:$0x1D000] =	vst v63  }
.LBB2_5:
0x64: {  	s20 =	sshll.u32 s20, $0xA;
	s21 =	sshll.u32 s21, $0x4  }
0x65: {  	s20 =	sand.u32 $0x400, s20;
	s22 =	sadd.s32 s7, s21;
	s21 =	sadd.s32 s2, s21  }
0x66: {  	[tilespmem:s20], [sflag:$0x5] =	stream.linear.gather [hbm4b:s22+s4], $0x400, $0x38;
	[tilespmem:$0x1D000] =	vst v63  }
.LBB2_8:
0x67: {  	s20 =	sor.u32 $0x800, s20  }
0x68: {  	[tilespmem:s20], [sflag:$0x5] =	stream.linear.gather [hbm4b:s21+s4], $0x400, $0x38;
	[tilespmem:$0x1D000] =	vst v63  }
.LBB2_9:
0x69: {  	p0 =	sge.u32 s28, s9  }
0x6a: {  	p1 =	sne.s32 @!p0 s15, $0x7  }
0x6b: {  	p1 =	por p1, p0  }
0x6c: {  	s20 =	simm.s32 @!p1 $0x5  }
0x6d: {  	_ =	swait.ge @!p1 [sflag:s20], $0x400  }
0x6e: {  	[sflag:s20] =	ssyncset.done @!p1 $0x0  }
0x6f: {  	s0 =	sand.u32 $0x1, s0;
	s16 =	sshll.u32 s16, $0xA;
	[sflag:s20] =	ssyncadd.s32 @!p1 $0xFFFFFC00  }
0x70: {  	s21 =	sshll.u32 @!p0 s19, $0xE;
	s19 =	sadd.s32 @!p0 $0x1, s19;
	_ =	swait.ge @!p1 [sflag:s20], $0x400  }
0x71: {  	s22 =	simm.s32 @!p0 $0x80;
	s16 =	sand.u32 $0x400, s16;
	[sflag:s20] =	ssyncset.done @!p1 $0x0  }
0x72: {  	[sflag:s20] =	ssyncadd.s32 @!p1 $0xFFFFFC00;
	s20 =	sor.u32 @!p0 $0x1000, s21;
	s21 =	sand.u32 @!p0 $0x780, s1  }
0x73: {  	[tilespmem:s20], [sflag:s19] =	stream.indirect.gather @!p0 [hbm4b:s6+s22], $0x80, s21, s22, $0xb8;
	[tilespmem:$0x1D000] =	vst v63  }
0x74: {  	s20 =	sshll.u32 s0, $0xE;
	s21 =	sadd.s32 $0x1, s0;
	p0 =	sne.s32 s9, s28  }
.Ltmp4:
0x75: {  	s22 =	sshll.u32 s15, $0x7;
	_ =	swait.ge [sflag:s21], $0x4000;
	(pc) =	sbr.rel @!p0 .LBB2_10-.Ltmp4, $4  }
0x76: {  	s0 =	sadd.s32 $0x3, s0;
	s15 =	sor.u32 s22, s16;
	[sflag:s21] =	ssyncset.done $0x0  }
0x77: {  	s19 =	sor.u32 $0x1000, s20;
	s15 =	sor.u32 $0x800, s15;
	[sflag:s21] =	ssyncadd.s32 $0xFFFFC000  }
0x78: {  	[spmem:s3] =	stream.indirect.scatter.add.f32 [tilespmem:s19], [sflag:s0], $0x80, s15, s30, $0xb8;
	[tilespmem:$0x1D000] =	vst v63  }
0x79: {  	s1 =	sadd.s32 $0x80, s1;
	s0 =	smov.u32 s28  }
.LBB2_4:
0x7a: {  	s16 =	sshrl.u32 s0, $0x3  }
0x7b: {  	s20 =	sadd.s32 $0x1, s16  }
0x7c: {  	s15 =	sand.u32 $0x7, s0;
	s21 =	sshll.u32 s20, $0x3  }
0x7d: {  	p0 =	seq.s32 s15, $0x1;
	p1 =	slt.u32 s21, s9  }
0x7e: {  	p0 =	por !p0, !p1  }
0x7f: {  	s21 =	sadd.s32 s5, s21;
	p0 =	por !p0, !p0  }
0x80: {  	p1 =	sgt.s32 @p0 s21, $0x9BF  }
0x81: {  	s28 =	sadd.s32 $0x1, s0;
	p1 =	por !p0, p1  }
.Ltmp5:
0x82: {  	p2 =	seq.s32 s0, $0x0;
	s19 =	sand.u32 $0x1, s28;
	(pc) =	sbr.rel @!p1 .LBB2_5-.Ltmp5, $4  }
0x83: {  	s22 =	sadd.s32 @!p2 $0x3, s19  }
0x84: {  	_ =	swait.ge @!p2 [sflag:s22], $0x4000  }
0x85: {  	[sflag:s22] =	ssyncset.done @!p2 $0x0  }
0x86: {  	[sflag:s22] =	ssyncadd.s32 @!p2 $0xFFFFC000  }
0x87: {  	p1 =	slt.s32 s21, $0x9C0;
	p0 =	por !p0, !p0  }
0x88: {  	p0 =	por p0, p1  }
.Ltmp6:
0x89: {  	_ = 	snop;
	(pc) =	sbr.rel @p0 .LBB2_9-.Ltmp6, $1  }
0x8a: {  	_ =	sdelay $0x3  }
.Ltmp7:
0x8b: {  	(pc) =	sbr.rel .LBB2_8-.Ltmp7, $4  }
0x8c: {  	_ = 	snop  }
0x8d: {  	s20 =	sshll.u32 s20, $0xA  }
0x8e: {  	s21 =	smov.u32 s17;
	s20 =	sand.u32 $0x400, s20  }
0x8f: {  	[tilespmem:s20], [sflag:$0x5] =	stream.linear.gather [hbm4b:s8+s4], $0x400, $0x38;
	[tilespmem:$0x1D000] =	vst v63  }
.LBB2_11:
0x90: {  	_ =	sfence.sel $0x180000  }
0x91: {  	[bflag:$0x0] =	sbarrier.arrive $0xFFFF  }
0x92: {  	_ =	strace $0x9000004A  }
0x93: {  	s0 =	stileid.u32;
	[bflag:$0x2] =	sbarrier.arrive $0xFFFF  }
0x94: {  	p0 =	sne.s32 s0, $0x0;
	s0 =	rddreg [dreg:$0x3]  }
0x95: {  	s0 =	sadd.s32 @!p0 $0x100000, s0  }
0x96: {  	[sflag:s0] =	ssyncadd.tile.s32 @!p0 $0x1;
	_ =	shalt  }
.Lfunc_end2:
_tile_overlayer_lowered:
.L_overlay_start_2:
0x97: {  	(tag) =	ssettag $0x2  }
0x98: {  	s0 =	rddreg [dreg:$0x0];
	s2 =	stileid.u32  }
0x99: {  	s1 =	rddreg [dreg:$0x1];
	p0 =	sne.s32 s2, $0x0  }
0x9a: {  	s3 =	rddreg [dreg:$0x2];
	[bflag:$0x3] =	sbarrier.arrive $0xFFFF;
	s2 =	simm.s32 @!p0 $0x1C06  }
0x9b: {  	[timem:s3], [sflag:s2] =	dma.local @!p0 [hbm:s0], s1  }
0x9c: {  	s0 =	simm.s32 @!p0 $0x6  }
0x9d: {  	_ =	swait.ge @!p0 [sflag:s0], s1  }
0x9e: {  	s1 =	ssub.s32 @!p0 $0x0, s1;
	[sflag:s0] =	ssyncset.done @!p0 $0x0  }
0x9f: {  	[sflag:s0] =	ssyncadd.s32 @!p0 s1  }
0xa0: {  	[bflag:$0x3] =	sbarrier.arrive $0xFFFF  }
0xa1: {  	_ =	shalt  }

</sc_bundles>
